<compile_context>
chip_gen: v7x
topology: tpu7x:2x2x1
jax: 0.10.2.dev20260603
libtpu: 0.0.44.dev20260713+nightly
codegen_flags: <defaults>
</compile_context>

<pallas_src>
import functools

import jax
import jax.numpy as jnp
from jax import lax
from jax.experimental import pallas as pl
from jax.experimental.pallas import tpu as pltpu
from jax.experimental.pallas import tpu_sc as plsc

N_V = 10000
NNZ = 320000
N_E = 20000
D_IN = 128
DH = 256
DX = DH + 128

NC = 2
NS = 16
PT = NNZ // NS
STRIP = 4000
G = 64
CAP = STRIP + G + 16

_MESH = plsc.VectorSubcoreMesh(
    core_axis_name="c", subcore_axis_name="s", num_cores=NC, num_subcores=NS
)


def _make_sc_stage(halves, width):
    h0, h1 = halves
    s_out = h0 + h1
    kmax = -(-(max(h0, h1) // 16) // NS)

    scratch = [
        pltpu.VMEM((STRIP,), jnp.int32),
        pltpu.VMEM((STRIP,), jnp.int32),
        pltpu.VMEM((CAP,), jnp.int32),
        pltpu.VMEM((CAP,), jnp.int32),
        pltpu.VMEM((G,), jnp.int32),
        pltpu.VMEM((G, width), jnp.float32),
        pltpu.VMEM((16, width), jnp.float32),
        pltpu.SemaphoreType.DMA,
    ]

    @functools.partial(
        pl.kernel,
        out_type=jax.ShapeDtypeStruct((s_out + 8, width), jnp.float32),
        mesh=_MESH,
        compiler_params=pltpu.CompilerParams(needs_layout_passes=False),
        scratch_types=scratch,
    )
    def stage(src_hbm, gidx_hbm, sidx_hbm, zr_hbm, out_hbm,
              gidx_v, sidx_v, cg_v, cs_v, grow, rows_v, z16, sem):
        c = lax.axis_index("c")
        s = lax.axis_index("s")

        base = c * h0
        sz = jnp.where(c == 0, h0, h1)
        nblk = jnp.where(c == 0, h0 // 16, h1 // 16)

        pltpu.sync_copy(zr_hbm, z16)

        def zero_body(k, _):
            blk = s + NS * k

            @pl.when(blk < nblk)
            def _():
                pltpu.sync_copy(z16, out_hbm.at[pl.ds(base + blk * 16, 16)])
            return 0

        lax.fori_loop(0, kmax, zero_body, 0)
        plsc.subcore_barrier()

        def strip_body(t0, _):
            p0 = s * PT + t0 * STRIP
            pltpu.sync_copy(gidx_hbm.at[pl.ds(p0, STRIP)], gidx_v)
            pltpu.sync_copy(sidx_hbm.at[pl.ds(p0, STRIP)], sidx_v)

            def scan_body(j, cnt):
                off = j * 16
                sv = sidx_v[pl.ds(off, 16)]
                gv = gidx_v[pl.ds(off, 16)]
                m = (sv >= base) & (sv < base + sz)
                mi = m.astype(jnp.int32)
                pos = cnt + plsc.cumsum(mi) - mi
                plsc.store_scatter(cs_v, [pos], sv, mask=m)
                plsc.store_scatter(cg_v, [pos], gv, mask=m)
                return cnt + jnp.sum(mi)

            cnt = lax.fori_loop(0, STRIP // 16, scan_body, jnp.int32(0))

            lanes = lax.iota(jnp.int32, 16)
            trash = jnp.zeros((16,), jnp.int32) + s_out
            zero16 = jnp.zeros((16,), jnp.int32)
            for t in range(G // 16):
                plsc.store_scatter(cs_v, [cnt + 16 * t + lanes], trash)
                plsc.store_scatter(cg_v, [cnt + 16 * t + lanes], zero16)

            def gs_body(g, _):
                o = g * G
                for t in range(G // 16):
                    grow[pl.ds(16 * t, 16)] = cg_v[pl.ds(o + 16 * t, 16)]
                pltpu.async_copy(src_hbm.at[grow], rows_v, sem).wait()
                for t in range(G // 16):
                    iv = cs_v[pl.ds(o + 16 * t, 16)]
                    pltpu.sync_copy(rows_v.at[pl.ds(16 * t, 16)],
                                    out_hbm.at[iv], add=True)
                return 0

            ntr = (cnt + (G - 1)) // G
            lax.fori_loop(0, ntr, gs_body, 0)
            return 0

        lax.fori_loop(0, PT // STRIP, strip_body, 0)

    return stage


_stage1 = _make_sc_stage((N_E // 2, N_E // 2), DX)
_stage2 = _make_sc_stage((5008, 4992), DH)


def _mm_body(x_ref, w_ref, o_ref):
    o_ref[:, :DH] = lax.dot_general(
        x_ref[...], w_ref[...], (((1,), (1,)), ((), ())),
        preferred_element_type=jnp.float32,
    )
    o_ref[:, DH:] = jnp.ones((N_V // 10, DX - DH), jnp.float32)


_matmul = pl.pallas_call(
    _mm_body,
    grid=(10,),
    in_specs=[
        pl.BlockSpec((N_V // 10, D_IN), lambda i: (i, 0)),
        pl.BlockSpec((DH, D_IN), lambda i: (0, 0)),
    ],
    out_specs=pl.BlockSpec((N_V // 10, DX), lambda i: (i, 0)),
    out_shape=jax.ShapeDtypeStruct((N_V, DX), jnp.float32),
)


def _div_body(s_ref, o_ref):
    cnt = jnp.maximum(s_ref[:, DH:DH + 1], 1.0)
    o_ref[...] = s_ref[:, :DH] * (1.0 / cnt)


_divide = pl.pallas_call(
    _div_body,
    grid=(20,),
    in_specs=[pl.BlockSpec((N_E // 20, DX), lambda i: (i, 0))],
    out_specs=pl.BlockSpec((N_E // 20, DH), lambda i: (i, 0)),
    out_shape=jax.ShapeDtypeStruct((N_E, DH), jnp.float32),
)


def _norm_body(a_ref, b_ref, o_ref):
    o = a_ref[...] + b_ref[...]
    rn = jnp.sqrt(jnp.sum(o * o, axis=1, keepdims=True))
    o_ref[...] = o * jnp.where(rn > 0, 1.0 / rn, 0.0)


_norm = pl.pallas_call(
    _norm_body,
    grid=(10,),
    in_specs=[
        pl.BlockSpec((N_V // 10, DH), lambda i: (i, 0)),
        pl.BlockSpec((N_V // 10, DH), lambda i: (i, 0)),
    ],
    out_specs=pl.BlockSpec((N_V // 10, DH), lambda i: (i, 0)),
    out_shape=jax.ShapeDtypeStruct((N_V, DH), jnp.float32),
)


def kernel(X, vertex, edges, W):
    Xw_ext = _matmul(X, W)
    zx = jnp.zeros((16, DX), jnp.float32)
    zh = jnp.zeros((16, DH), jnp.float32)
    acc = _stage1(Xw_ext, vertex, edges, zx)
    Xe = _divide(acc)
    Xv = _stage2(Xe, edges, vertex, zh)
    return _norm(Xw_ext, Xv)

# --- scband reference (transcript-rebuilt; emitter-appended) ---
"""Pipeline reference for scband-uni-sageconv-2594160246972 (READ-ONLY COPY).

The authoritative reference and input builder live on the scoring server;
editing this copy changes nothing except your own understanding.
"""

import jax, jax.numpy as jnp
import numpy as np

N = 10000
NNZ = 320000
E = 20000
D_IN = 128
HEADS = 8
D_OUT = 32
D_HID = HEADS * D_OUT


def setup_inputs(seed: int = 0) -> dict:
    key = jax.random.key(seed)
    k1, k2, k3, k4 = jax.random.split(key, 4)
    X = jax.random.normal(k1, (N, D_IN), dtype=jnp.float32)
    vertex = jax.random.randint(k2, (NNZ,), 0, N, dtype=jnp.int32)
    edges = jax.random.randint(k3, (NNZ,), 0, E, dtype=jnp.int32)
    # nn.Linear(in_channels, heads*out_channels, bias=False) weight: [D_HID, D_IN]
    bound = 1.0 / np.sqrt(D_IN)
    W = jax.random.uniform(k4, (D_HID, D_IN), dtype=jnp.float32, minval=-bound, maxval=bound)
    return {"X": X, "vertex": vertex, "edges": edges, "W": W}


def reference(X, vertex, edges, W):
    # X = self.W(X)
    Xw = X @ W.T  # [N, D_HID]
    # Xve = X[vertex]
    Xve = jnp.take(Xw, vertex, axis=0)  # [NNZ, D_HID]
    # Xe = scatter(Xve, edges, reduce='mean')
    sums = jax.ops.segment_sum(Xve, edges, num_segments=E)
    cnt = jax.ops.segment_sum(jnp.ones((NNZ, 1), Xw.dtype), edges, num_segments=E)
    Xe = sums / jnp.maximum(cnt, 1.0)  # [E, D_HID]
    # Xev = Xe[edges]
    Xev = jnp.take(Xe, edges, axis=0)  # [NNZ, D_HID]
    # Xv = scatter(Xev, vertex, reduce='sum', dim_size=N)
    Xv = jax.ops.segment_sum(Xev, vertex, num_segments=N)  # [N, D_HID]
    out = Xw + Xv
    # use_norm=True: normalize_l2 with detached row norms
    rn = jnp.linalg.norm(jax.lax.stop_gradient(out), axis=1, keepdims=True)
    scale = jnp.where(rn > 0, 1.0 / rn, 0.0)
    return out * scale

if __name__ == "__main__":
    import jax
    _d = setup_inputs()
    print(jax.jit(kernel)(*tuple(_d.values())))

</pallas_src>

<mosaic_0001>
#map = affine_map<(d0, d1) -> (0, 0)>
#map1 = affine_map<(d0, d1) -> (0)>
module attributes {stable_mosaic.version = 14 : i64} {
  func.func @stage(%arg0: i32, %arg1: i32, %arg2: memref<10000x384xf32, #tpu.memory_space<hbm>>, %arg3: memref<320000xi32, #tpu.memory_space<hbm>>, %arg4: memref<320000xi32, #tpu.memory_space<hbm>>, %arg5: memref<16x384xf32, #tpu.memory_space<hbm>>, %arg6: memref<20008x384xf32, #tpu.memory_space<hbm>>, %arg7: memref<4000xi32, #tpu.memory_space<vmem>>, %arg8: memref<4000xi32, #tpu.memory_space<vmem>>, %arg9: memref<4080xi32, #tpu.memory_space<vmem>>, %arg10: memref<4080xi32, #tpu.memory_space<vmem>>, %arg11: memref<64xi32, #tpu.memory_space<vmem>>, %arg12: memref<64x384xf32, #tpu.memory_space<vmem>>, %arg13: memref<16x384xf32, #tpu.memory_space<vmem>>, %arg14: memref<!tpu.dma_semaphore, #tpu.memory_space<semaphore_mem>>) attributes {dimension_semantics = [#tpu.dimension_semantics<core_parallel>, #tpu.dimension_semantics<subcore_parallel>], iteration_bounds = array<i64: 2, 16>, scalar_prefetch = 0 : i64, scratch_operands = 8 : i64, tpu.core_type = #tpu.core_type<sc_vector_subcore>, window_params = [{transform_indices = #map}, {transform_indices = #map1}, {transform_indices = #map1}, {transform_indices = #map}, {transform_indices = #map}]} {
    %mul3A = arith.constant 10000 : i32
    %mul3A_0 = arith.muli %arg0, %mul3A : i32
    %eq3A = arith.constant 0 : i32
    %eq3A_1 = arith.cmpi eq, %arg0, %eq3A : i32
    %jit3A = arith.constant 10000 : i32
    %jit3A_2 = arith.constant 10000 : i32
    %select_n3A = arith.select %eq3A_1, %jit3A, %jit3A_2 : i32
    %eq3A_3 = arith.constant 0 : i32
    %eq3A_4 = arith.cmpi eq, %arg0, %eq3A_3 : i32
    %jit3A_5 = arith.constant 625 : i32
    %jit3A_6 = arith.constant 625 : i32
    %select_n3A_7 = arith.select %eq3A_4, %jit3A_5, %jit3A_6 : i32
    "tpu.region"() ({
      %run_scoped3A = tpu.sem_alloc : memref<!tpu.dma_semaphore, #tpu.memory_space<semaphore_mem>>
      tpu.enqueue_dma source(%arg5 : memref<16x384xf32, #tpu.memory_space<hbm>>) target(%arg13 : memref<16x384xf32, #tpu.memory_space<vmem>>) target_semaphore(%run_scoped3A : memref<!tpu.dma_semaphore, #tpu.memory_space<semaphore_mem>>)
      tpu.wait_dma2 semaphore(%run_scoped3A : memref<!tpu.dma_semaphore, #tpu.memory_space<semaphore_mem>>) src(%arg5 : memref<16x384xf32, #tpu.memory_space<hbm>>) dst(%arg13 : memref<16x384xf32, #tpu.memory_space<vmem>>)
      tpu.yield
    }) : () -> ()
    %scan3A = arith.constant 0 : i32
    %scan3A_8 = arith.constant 0 : i32
    %scan3A_9 = arith.constant 40 : i32
    %scan3A_10 = arith.addi %scan3A_8, %scan3A_9 : i32
    %scan3A_11 = arith.constant 1 : i32
    %scan3A_12 = scf.for %scan3A_21 = %scan3A_8 to %scan3A_10 step %scan3A_11 iter_args(%scan3A_22 = %scan3A) -> (i32)  : i32 {
      %mul3A_23 = arith.constant 16 : i32
      %mul3A_24 = arith.muli %mul3A_23, %scan3A_21 : i32
      %add3A = arith.addi %arg1, %mul3A_24 : i32
      %lt3A = arith.cmpi slt, %add3A, %select_n3A_7 : i32
      %convert_element_type3A = arith.extui %lt3A : i1 to i32
      %cond3A = arith.constant 0 : i32
      %cond3A_25 = arith.cmpi ne, %convert_element_type3A, %cond3A : i32
      scf.if %cond3A_25 {
        %mul3A_27 = arith.constant 16 : i32
        %mul3A_28 = arith.muli %add3A, %mul3A_27 : i32
        %add3A_29 = arith.addi %mul3A_0, %mul3A_28 : i32
        "tpu.region"() ({
          %run_scoped3A = tpu.sem_alloc : memref<!tpu.dma_semaphore, #tpu.memory_space<semaphore_mem>>
          %dma_start3A = arith.constant 0 : i32
          %dma_start3A_30 = tpu.memref_slice %arg6[%add3A_29, %dma_start3A] : memref<20008x384xf32, #tpu.memory_space<hbm>> -> memref<16x384xf32, #tpu.memory_space<hbm>>
          %dma_start3A_31 = arith.constant 0 : i32
          %dma_start3A_32 = tpu.memref_slice %arg6[%add3A_29, %dma_start3A_31] : memref<20008x384xf32, #tpu.memory_space<hbm>> -> memref<16x384xf32, #tpu.memory_space<hbm>>
          tpu.enqueue_dma source(%arg13 : memref<16x384xf32, #tpu.memory_space<vmem>>) target(%dma_start3A_32 : memref<16x384xf32, #tpu.memory_space<hbm>>) target_semaphore(%run_scoped3A : memref<!tpu.dma_semaphore, #tpu.memory_space<semaphore_mem>>)
          %dma_wait3A = arith.constant 0 : i32
          %dma_wait3A_33 = tpu.memref_slice %arg6[%add3A_29, %dma_wait3A] : memref<20008x384xf32, #tpu.memory_space<hbm>> -> memref<16x384xf32, #tpu.memory_space<hbm>>
          %dma_wait3A_34 = arith.constant 0 : i32
          %dma_wait3A_35 = tpu.memref_slice %arg6[%add3A_29, %dma_wait3A_34] : memref<20008x384xf32, #tpu.memory_space<hbm>> -> memref<16x384xf32, #tpu.memory_space<hbm>>
          tpu.wait_dma2 semaphore(%run_scoped3A : memref<!tpu.dma_semaphore, #tpu.memory_space<semaphore_mem>>) src(%arg13 : memref<16x384xf32, #tpu.memory_space<vmem>>) dst(%dma_wait3A_35 : memref<16x384xf32, #tpu.memory_space<hbm>>)
          tpu.yield
        }) : () -> ()
      } else {
      }
      %scan3A_26 = arith.constant 0 : i32
      scf.yield %scan3A_26 : i32
    }
    %scan3A_13 = arith.constant 40 : i32
    %barrier3A = arith.constant 0 : index
    tpu.barrier barrier_id(%barrier3A)
    %scan3A_14 = arith.constant 0 : i32
    %scan3A_15 = arith.constant 0 : i32
    %scan3A_16 = arith.constant 5 : i32
    %scan3A_17 = arith.addi %scan3A_15, %scan3A_16 : i32
    %scan3A_18 = arith.constant 1 : i32
    %scan3A_19 = scf.for %scan3A_21 = %scan3A_15 to %scan3A_17 step %scan3A_18 iter_args(%scan3A_22 = %scan3A_14) -> (i32)  : i32 {
      %mul3A_23 = arith.constant 20000 : i32
      %mul3A_24 = arith.muli %arg1, %mul3A_23 : i32
      %mul3A_25 = arith.constant 4000 : i32
      %mul3A_26 = arith.muli %scan3A_21, %mul3A_25 : i32
      %add3A = arith.addi %mul3A_24, %mul3A_26 : i32
      "tpu.region"() ({
        %run_scoped3A = tpu.sem_alloc : memref<!tpu.dma_semaphore, #tpu.memory_space<semaphore_mem>>
        %dma_start3A = tpu.memref_slice %arg3[%add3A] : memref<320000xi32, #tpu.memory_space<hbm>> -> memref<4000xi32, #tpu.memory_space<hbm>>
        %dma_start3A_104 = tpu.memref_slice %arg3[%add3A] : memref<320000xi32, #tpu.memory_space<hbm>> -> memref<4000xi32, #tpu.memory_space<hbm>>
        tpu.enqueue_dma source(%dma_start3A_104 : memref<4000xi32, #tpu.memory_space<hbm>>) target(%arg7 : memref<4000xi32, #tpu.memory_space<vmem>>) target_semaphore(%run_scoped3A : memref<!tpu.dma_semaphore, #tpu.memory_space<semaphore_mem>>)
        %dma_wait3A = tpu.memref_slice %arg3[%add3A] : memref<320000xi32, #tpu.memory_space<hbm>> -> memref<4000xi32, #tpu.memory_space<hbm>>
        %dma_wait3A_105 = tpu.memref_slice %arg3[%add3A] : memref<320000xi32, #tpu.memory_space<hbm>> -> memref<4000xi32, #tpu.memory_space<hbm>>
        tpu.wait_dma2 semaphore(%run_scoped3A : memref<!tpu.dma_semaphore, #tpu.memory_space<semaphore_mem>>) src(%dma_wait3A_105 : memref<4000xi32, #tpu.memory_space<hbm>>) dst(%arg7 : memref<4000xi32, #tpu.memory_space<vmem>>)
        tpu.yield
      }) : () -> ()
      "tpu.region"() ({
        %run_scoped3A = tpu.sem_alloc : memref<!tpu.dma_semaphore, #tpu.memory_space<semaphore_mem>>
        %dma_start3A = tpu.memref_slice %arg4[%add3A] : memref<320000xi32, #tpu.memory_space<hbm>> -> memref<4000xi32, #tpu.memory_space<hbm>>
        %dma_start3A_104 = tpu.memref_slice %arg4[%add3A] : memref<320000xi32, #tpu.memory_space<hbm>> -> memref<4000xi32, #tpu.memory_space<hbm>>
        tpu.enqueue_dma source(%dma_start3A_104 : memref<4000xi32, #tpu.memory_space<hbm>>) target(%arg8 : memref<4000xi32, #tpu.memory_space<vmem>>) target_semaphore(%run_scoped3A : memref<!tpu.dma_semaphore, #tpu.memory_space<semaphore_mem>>)
        %dma_wait3A = tpu.memref_slice %arg4[%add3A] : memref<320000xi32, #tpu.memory_space<hbm>> -> memref<4000xi32, #tpu.memory_space<hbm>>
        %dma_wait3A_105 = tpu.memref_slice %arg4[%add3A] : memref<320000xi32, #tpu.memory_space<hbm>> -> memref<4000xi32, #tpu.memory_space<hbm>>
        tpu.wait_dma2 semaphore(%run_scoped3A : memref<!tpu.dma_semaphore, #tpu.memory_space<semaphore_mem>>) src(%dma_wait3A_105 : memref<4000xi32, #tpu.memory_space<hbm>>) dst(%arg8 : memref<4000xi32, #tpu.memory_space<vmem>>)
        tpu.yield
      }) : () -> ()
      %scan3A_27 = arith.constant 0 : i32
      %scan3A_28 = arith.constant 0 : i32
      %scan3A_29 = arith.constant 250 : i32
      %scan3A_30 = arith.addi %scan3A_28, %scan3A_29 : i32
      %scan3A_31 = arith.constant 1 : i32
      %scan3A_32 = scf.for %scan3A_104 = %scan3A_28 to %scan3A_30 step %scan3A_31 iter_args(%scan3A_105 = %scan3A_27) -> (i32)  : i32 {
        %mul3A_106 = arith.constant 16 : i32
        %mul3A_107 = arith.muli %scan3A_104, %mul3A_106 : i32
        %get3A = arith.index_cast %mul3A_107 : i32 to index
        %get3A_108 = tpu.vector_load %arg8[%get3A] {strides = array<i32>} : memref<4000xi32, #tpu.memory_space<vmem>>, vector<16xi32>,
        %get3A_109 = arith.index_cast %mul3A_107 : i32 to index
        %get3A_110 = tpu.vector_load %arg7[%get3A_109] {strides = array<i32>} : memref<4000xi32, #tpu.memory_space<vmem>>, vector<16xi32>,
        %ge3A = vector.broadcast %mul3A_0 : i32 to vector<16xi32>
        %ge3A_111 = arith.cmpi sge, %get3A_108, %ge3A : vector<16xi32>
        %add3A_112 = arith.addi %mul3A_0, %select_n3A : i32
        %lt3A = vector.broadcast %add3A_112 : i32 to vector<16xi32>
        %lt3A_113 = arith.cmpi slt, %get3A_108, %lt3A : vector<16xi32>
        %and3A_114 = arith.andi %ge3A_111, %lt3A_113 : vector<16xi1>
        %convert_element_type3A = arith.extui %and3A_114 : vector<16xi1> to vector<16xi32>
        %broadcast_in_dim3A_115 = arith.constant true
        %broadcast_in_dim3A_116 = vector.broadcast %broadcast_in_dim3A_115 : i1 to vector<16xi1>
        %masked_cumsum3A = tpu.scan <sum>, %convert_element_type3A masked %broadcast_in_dim3A_116 : vector<16xi32>, vector<16xi1> -> vector<16xi32>
        %add3A_117 = vector.broadcast %scan3A_105 : i32 to vector<16xi32>
        %add3A_118 = arith.addi %add3A_117, %masked_cumsum3A : vector<16xi32>
        %sub3A_119 = arith.subi %add3A_118, %convert_element_type3A : vector<16xi32>
        tpu.vector_store_idx %arg10[%sub3A_119], %get3A_108 masked %and3A_114 : memref<4080xi32, #tpu.memory_space<vmem>>[vector<16xi32>], vector<16xi32>, vector<16xi1>
        tpu.vector_store_idx %arg9[%sub3A_119], %get3A_110 masked %and3A_114 : memref<4080xi32, #tpu.memory_space<vmem>>[vector<16xi32>], vector<16xi32>, vector<16xi1>
        %reduce_sum3A = arith.constant true
        %reduce_sum3A_120 = vector.broadcast %reduce_sum3A : i1 to vector<16xi1>
        %reduce_sum3A_121 = tpu.scan <sum>, %convert_element_type3A masked %reduce_sum3A_120 : vector<16xi32>, vector<16xi1> -> vector<16xi32>
        %reduce_sum3A_122 = vector.extract %reduce_sum3A_121[15] : i32 from vector<16xi32>
        %add3A_123 = arith.addi %scan3A_105, %reduce_sum3A_122 : i32
        scf.yield %add3A_123 : i32
      }
      %scan3A_33 = arith.constant 250 : i32
      %iota3A = tpu.iota {dimensions = array<i32: 0>} : vector<16xi32>
      %broadcast_in_dim3A = arith.constant 0 : i32
      %broadcast_in_dim3A_34 = vector.broadcast %broadcast_in_dim3A : i32 to vector<16xi32>
      %add3A_35 = arith.constant 20000 : i32
      %add3A_36 = vector.broadcast %add3A_35 : i32 to vector<16xi32>
      %add3A_37 = arith.addi %broadcast_in_dim3A_34, %add3A_36 : vector<16xi32>
      %broadcast_in_dim3A_38 = arith.constant 0 : i32
      %broadcast_in_dim3A_39 = vector.broadcast %broadcast_in_dim3A_38 : i32 to vector<16xi32>
      %add3A_40 = arith.constant 0 : i32
      %add3A_41 = arith.addi %scan3A_32, %add3A_40 : i32
      %add3A_42 = vector.broadcast %add3A_41 : i32 to vector<16xi32>
      %add3A_43 = arith.addi %add3A_42, %iota3A : vector<16xi32>
      tpu.vector_store_idx %arg10[%add3A_43], %add3A_37 : memref<4080xi32, #tpu.memory_space<vmem>>[vector<16xi32>], vector<16xi32>,
      %add3A_44 = arith.constant 0 : i32
      %add3A_45 = arith.addi %scan3A_32, %add3A_44 : i32
      %add3A_46 = vector.broadcast %add3A_45 : i32 to vector<16xi32>
      %add3A_47 = arith.addi %add3A_46, %iota3A : vector<16xi32>
      tpu.vector_store_idx %arg9[%add3A_47], %broadcast_in_dim3A_39 : memref<4080xi32, #tpu.memory_space<vmem>>[vector<16xi32>], vector<16xi32>,
      %add3A_48 = arith.constant 16 : i32
      %add3A_49 = arith.addi %scan3A_32, %add3A_48 : i32
      %add3A_50 = vector.broadcast %add3A_49 : i32 to vector<16xi32>
      %add3A_51 = arith.addi %add3A_50, %iota3A : vector<16xi32>
      tpu.vector_store_idx %arg10[%add3A_51], %add3A_37 : memref<4080xi32, #tpu.memory_space<vmem>>[vector<16xi32>], vector<16xi32>,
      %add3A_52 = arith.constant 16 : i32
      %add3A_53 = arith.addi %scan3A_32, %add3A_52 : i32
      %add3A_54 = vector.broadcast %add3A_53 : i32 to vector<16xi32>
      %add3A_55 = arith.addi %add3A_54, %iota3A : vector<16xi32>
      tpu.vector_store_idx %arg9[%add3A_55], %broadcast_in_dim3A_39 : memref<4080xi32, #tpu.memory_space<vmem>>[vector<16xi32>], vector<16xi32>,
      %add3A_56 = arith.constant 32 : i32
      %add3A_57 = arith.addi %scan3A_32, %add3A_56 : i32
      %add3A_58 = vector.broadcast %add3A_57 : i32 to vector<16xi32>
      %add3A_59 = arith.addi %add3A_58, %iota3A : vector<16xi32>
      tpu.vector_store_idx %arg10[%add3A_59], %add3A_37 : memref<4080xi32, #tpu.memory_space<vmem>>[vector<16xi32>], vector<16xi32>,
      %add3A_60 = arith.constant 32 : i32
      %add3A_61 = arith.addi %scan3A_32, %add3A_60 : i32
      %add3A_62 = vector.broadcast %add3A_61 : i32 to vector<16xi32>
      %add3A_63 = arith.addi %add3A_62, %iota3A : vector<16xi32>
      tpu.vector_store_idx %arg9[%add3A_63], %broadcast_in_dim3A_39 : memref<4080xi32, #tpu.memory_space<vmem>>[vector<16xi32>], vector<16xi32>,
      %add3A_64 = arith.constant 48 : i32
      %add3A_65 = arith.addi %scan3A_32, %add3A_64 : i32
      %add3A_66 = vector.broadcast %add3A_65 : i32 to vector<16xi32>
      %add3A_67 = arith.addi %add3A_66, %iota3A : vector<16xi32>
      tpu.vector_store_idx %arg10[%add3A_67], %add3A_37 : memref<4080xi32, #tpu.memory_space<vmem>>[vector<16xi32>], vector<16xi32>,
      %add3A_68 = arith.constant 48 : i32
      %add3A_69 = arith.addi %scan3A_32, %add3A_68 : i32
      %add3A_70 = vector.broadcast %add3A_69 : i32 to vector<16xi32>
      %add3A_71 = arith.addi %add3A_70, %iota3A : vector<16xi32>
      tpu.vector_store_idx %arg9[%add3A_71], %broadcast_in_dim3A_39 : memref<4080xi32, #tpu.memory_space<vmem>>[vector<16xi32>], vector<16xi32>,
      %add3A_72 = arith.constant 63 : i32
      %add3A_73 = arith.addi %scan3A_32, %add3A_72 : i32
      %jit3A_74 = arith.constant 64 : i32
      %div3A = arith.divsi %add3A_73, %jit3A_74 : i32
      %sign3A = arith.constant 0 : i32
      %sign3A_75 = arith.cmpi sgt, %add3A_73, %sign3A : i32
      %sign3A_76 = arith.extui %sign3A_75 : i1 to i32
      %sign3A_77 = arith.constant 0 : i32
      %sign3A_78 = arith.cmpi slt, %add3A_73, %sign3A_77 : i32
      %sign3A_79 = arith.extui %sign3A_78 : i1 to i32
      %sign3A_80 = arith.subi %sign3A_76, %sign3A_79 : i32
      %sign3A_81 = arith.constant 0 : i32
      %sign3A_82 = arith.cmpi sgt, %jit3A_74, %sign3A_81 : i32
      %sign3A_83 = arith.extui %sign3A_82 : i1 to i32
      %sign3A_84 = arith.constant 0 : i32
      %sign3A_85 = arith.cmpi slt, %jit3A_74, %sign3A_84 : i32
      %sign3A_86 = arith.extui %sign3A_85 : i1 to i32
      %sign3A_87 = arith.subi %sign3A_83, %sign3A_86 : i32
      %ne3A = arith.cmpi ne, %sign3A_80, %sign3A_87 : i32
      %rem3A = arith.remsi %add3A_73, %jit3A_74 : i32
      %ne3A_88 = arith.constant 0 : i32
      %ne3A_89 = arith.cmpi ne, %rem3A, %ne3A_88 : i32
      %and3A = arith.andi %ne3A, %ne3A_89 : i1
      %sub3A = arith.constant 1 : i32
      %sub3A_90 = arith.subi %div3A, %sub3A : i32
      %select_n3A_91 = arith.select %and3A, %sub3A_90, %div3A : i32
      %while3A = arith.constant 0 : i32
      %while3A_92 = arith.constant 0 : i32
      %while3A_93 = arith.subi %select_n3A_91, %while3A : i32
      %while3A_94 = arith.addi %while3A, %while3A_93 : i32
      %while3A_95 = arith.constant 1 : i32
      %while3A_96 = arith.divsi %while3A_93, %while3A_95 : i32
      %while3A_97 = arith.muli %while3A_96, %while3A_95 : i32
      %while3A_98 = arith.addi %while3A, %while3A_97 : i32
      %while3A_99 = arith.constant 1 : i32
      %while3A_100 = scf.for %while3A_104 = %while3A to %while3A_98 step %while3A_99 iter_args(%while3A_105 = %while3A_92) -> (i32)  : i32 {
        %mul3A_106 = arith.constant 64 : i32
        %mul3A_107 = arith.muli %while3A_104, %mul3A_106 : i32
        %add3A_108 = arith.constant 0 : i32
        %add3A_109 = arith.addi %mul3A_107, %add3A_108 : i32
        %get3A = arith.index_cast %add3A_109 : i32 to index
        %get3A_110 = tpu.vector_load %arg9[%get3A] {strides = array<i32>} : memref<4080xi32, #tpu.memory_space<vmem>>, vector<16xi32>,
        %swap3A = arith.constant 0 : index
        %swap3A_111 = tpu.vector_load %arg11[%swap3A] {strides = array<i32>} : memref<64xi32, #tpu.memory_space<vmem>>, vector<16xi32>,
        tpu.vector_store %arg11[%swap3A], %get3A_110 {strides = array<i32>} : memref<64xi32, #tpu.memory_space<vmem>>, vector<16xi32>,
        %add3A_112 = arith.constant 16 : i32
        %add3A_113 = arith.addi %mul3A_107, %add3A_112 : i32
        %get3A_114 = arith.index_cast %add3A_113 : i32 to index
        %get3A_115 = tpu.vector_load %arg9[%get3A_114] {strides = array<i32>} : memref<4080xi32, #tpu.memory_space<vmem>>, vector<16xi32>,
        %swap3A_116 = arith.constant 16 : index
        %swap3A_117 = tpu.vector_load %arg11[%swap3A_116] {strides = array<i32>} : memref<64xi32, #tpu.memory_space<vmem>>, vector<16xi32>,
        tpu.vector_store %arg11[%swap3A_116], %get3A_115 {strides = array<i32>} : memref<64xi32, #tpu.memory_space<vmem>>, vector<16xi32>,
        %add3A_118 = arith.constant 32 : i32
        %add3A_119 = arith.addi %mul3A_107, %add3A_118 : i32
        %get3A_120 = arith.index_cast %add3A_119 : i32 to index
        %get3A_121 = tpu.vector_load %arg9[%get3A_120] {strides = array<i32>} : memref<4080xi32, #tpu.memory_space<vmem>>, vector<16xi32>,
        %swap3A_122 = arith.constant 32 : index
        %swap3A_123 = tpu.vector_load %arg11[%swap3A_122] {strides = array<i32>} : memref<64xi32, #tpu.memory_space<vmem>>, vector<16xi32>,
        tpu.vector_store %arg11[%swap3A_122], %get3A_121 {strides = array<i32>} : memref<64xi32, #tpu.memory_space<vmem>>, vector<16xi32>,
        %add3A_124 = arith.constant 48 : i32
        %add3A_125 = arith.addi %mul3A_107, %add3A_124 : i32
        %get3A_126 = arith.index_cast %add3A_125 : i32 to index
        %get3A_127 = tpu.vector_load %arg9[%get3A_126] {strides = array<i32>} : memref<4080xi32, #tpu.memory_space<vmem>>, vector<16xi32>,
        %swap3A_128 = arith.constant 48 : index
        %swap3A_129 = tpu.vector_load %arg11[%swap3A_128] {strides = array<i32>} : memref<64xi32, #tpu.memory_space<vmem>>, vector<16xi32>,
        tpu.vector_store %arg11[%swap3A_128], %get3A_127 {strides = array<i32>} : memref<64xi32, #tpu.memory_space<vmem>>, vector<16xi32>,
        %dma_start3A = arith.constant 0 : i32
        %dma_start3A_130 = arith.constant 0 : i32
        %dma_start3A_131 = tpu.memref_slice %arg2[%dma_start3A, %dma_start3A_130] : memref<10000x384xf32, #tpu.memory_space<hbm>> -> memref<10000x384xf32, #tpu.memory_space<hbm>>
        tpu.enqueue_indirect_dma source(%dma_start3A_131 : memref<10000x384xf32, #tpu.memory_space<hbm>>) target(%arg12 : memref<64x384xf32, #tpu.memory_space<vmem>>) offsets(%arg11 : memref<64xi32, #tpu.memory_space<vmem>>) semaphore(%arg14 : memref<!tpu.dma_semaphore, #tpu.memory_space<semaphore_mem>>)
        %dma_wait3A = arith.constant 0 : i32
        %dma_wait3A_132 = arith.constant 0 : i32
        %dma_wait3A_133 = tpu.memref_slice %arg2[%dma_wait3A, %dma_wait3A_132] : memref<10000x384xf32, #tpu.memory_space<hbm>> -> memref<10000x384xf32, #tpu.memory_space<hbm>>
        tpu.wait_indirect_dma semaphore(%arg14 : memref<!tpu.dma_semaphore, #tpu.memory_space<semaphore_mem>>) src(%dma_wait3A_133 : memref<10000x384xf32, #tpu.memory_space<hbm>>) dst(%arg12 : memref<64x384xf32, #tpu.memory_space<vmem>>)
        %add3A_134 = arith.constant 0 : i32
        %add3A_135 = arith.addi %mul3A_107, %add3A_134 : i32
        %get3A_136 = arith.index_cast %add3A_135 : i32 to index
        %get3A_137 = tpu.vector_load %arg10[%get3A_136] {strides = array<i32>} : memref<4080xi32, #tpu.memory_space<vmem>>, vector<16xi32>,
        "tpu.region"() ({
          %run_scoped3A = tpu.sem_alloc : memref<!tpu.dma_semaphore, #tpu.memory_space<semaphore_mem>>
          %dma_start3A_151 = arith.constant 0 : i32
          %dma_start3A_152 = arith.constant 0 : i32
          %dma_start3A_153 = tpu.memref_slice %arg12[%dma_start3A_151, %dma_start3A_152] : memref<64x384xf32, #tpu.memory_space<vmem>> -> memref<16x384xf32, #tpu.memory_space<vmem>>
          %dma_start3A_154 = arith.constant 0 : i32
          %dma_start3A_155 = arith.constant 0 : i32
          %dma_start3A_156 = tpu.memref_slice %arg6[%dma_start3A_154, %dma_start3A_155] : memref<20008x384xf32, #tpu.memory_space<hbm>> -> memref<20008x384xf32, #tpu.memory_space<hbm>>
          tpu.enqueue_indirect_dma source(%dma_start3A_153 : memref<16x384xf32, #tpu.memory_space<vmem>>) target(%dma_start3A_156 : memref<20008x384xf32, #tpu.memory_space<hbm>>) offsets(%get3A_137 : vector<16xi32>) semaphore(%run_scoped3A : memref<!tpu.dma_semaphore, #tpu.memory_space<semaphore_mem>>) {add = true}
          %dma_wait3A_157 = arith.constant 0 : i32
          %dma_wait3A_158 = arith.constant 0 : i32
          %dma_wait3A_159 = tpu.memref_slice %arg12[%dma_wait3A_157, %dma_wait3A_158] : memref<64x384xf32, #tpu.memory_space<vmem>> -> memref<16x384xf32, #tpu.memory_space<vmem>>
          %dma_wait3A_160 = arith.constant 0 : i32
          %dma_wait3A_161 = arith.constant 0 : i32
          %dma_wait3A_162 = tpu.memref_slice %arg6[%dma_wait3A_160, %dma_wait3A_161] : memref<20008x384xf32, #tpu.memory_space<hbm>> -> memref<20008x384xf32, #tpu.memory_space<hbm>>
          tpu.wait_indirect_dma semaphore(%run_scoped3A : memref<!tpu.dma_semaphore, #tpu.memory_space<semaphore_mem>>) src(%dma_wait3A_159 : memref<16x384xf32, #tpu.memory_space<vmem>>) dst(%dma_wait3A_162 : memref<20008x384xf32, #tpu.memory_space<hbm>>)
          tpu.yield
        }) : () -> ()
        %add3A_138 = arith.constant 16 : i32
        %add3A_139 = arith.addi %mul3A_107, %add3A_138 : i32
        %get3A_140 = arith.index_cast %add3A_139 : i32 to index
        %get3A_141 = tpu.vector_load %arg10[%get3A_140] {strides = array<i32>} : memref<4080xi32, #tpu.memory_space<vmem>>, vector<16xi32>,
        "tpu.region"() ({
          %run_scoped3A = tpu.sem_alloc : memref<!tpu.dma_semaphore, #tpu.memory_space<semaphore_mem>>
          %dma_start3A_151 = arith.constant 16 : i32
          %dma_start3A_152 = arith.constant 0 : i32
          %dma_start3A_153 = tpu.memref_slice %arg12[%dma_start3A_151, %dma_start3A_152] : memref<64x384xf32, #tpu.memory_space<vmem>> -> memref<16x384xf32, #tpu.memory_space<vmem>>
          %dma_start3A_154 = arith.constant 0 : i32
          %dma_start3A_155 = arith.constant 0 : i32
          %dma_start3A_156 = tpu.memref_slice %arg6[%dma_start3A_154, %dma_start3A_155] : memref<20008x384xf32, #tpu.memory_space<hbm>> -> memref<20008x384xf32, #tpu.memory_space<hbm>>
          tpu.enqueue_indirect_dma source(%dma_start3A_153 : memref<16x384xf32, #tpu.memory_space<vmem>>) target(%dma_start3A_156 : memref<20008x384xf32, #tpu.memory_space<hbm>>) offsets(%get3A_141 : vector<16xi32>) semaphore(%run_scoped3A : memref<!tpu.dma_semaphore, #tpu.memory_space<semaphore_mem>>) {add = true}
          %dma_wait3A_157 = arith.constant 16 : i32
          %dma_wait3A_158 = arith.constant 0 : i32
          %dma_wait3A_159 = tpu.memref_slice %arg12[%dma_wait3A_157, %dma_wait3A_158] : memref<64x384xf32, #tpu.memory_space<vmem>> -> memref<16x384xf32, #tpu.memory_space<vmem>>
          %dma_wait3A_160 = arith.constant 0 : i32
          %dma_wait3A_161 = arith.constant 0 : i32
          %dma_wait3A_162 = tpu.memref_slice %arg6[%dma_wait3A_160, %dma_wait3A_161] : memref<20008x384xf32, #tpu.memory_space<hbm>> -> memref<20008x384xf32, #tpu.memory_space<hbm>>
          tpu.wait_indirect_dma semaphore(%run_scoped3A : memref<!tpu.dma_semaphore, #tpu.memory_space<semaphore_mem>>) src(%dma_wait3A_159 : memref<16x384xf32, #tpu.memory_space<vmem>>) dst(%dma_wait3A_162 : memref<20008x384xf32, #tpu.memory_space<hbm>>)
          tpu.yield
        }) : () -> ()
        %add3A_142 = arith.constant 32 : i32
        %add3A_143 = arith.addi %mul3A_107, %add3A_142 : i32
        %get3A_144 = arith.index_cast %add3A_143 : i32 to index
        %get3A_145 = tpu.vector_load %arg10[%get3A_144] {strides = array<i32>} : memref<4080xi32, #tpu.memory_space<vmem>>, vector<16xi32>,
        "tpu.region"() ({
          %run_scoped3A = tpu.sem_alloc : memref<!tpu.dma_semaphore, #tpu.memory_space<semaphore_mem>>
          %dma_start3A_151 = arith.constant 32 : i32
          %dma_start3A_152 = arith.constant 0 : i32
          %dma_start3A_153 = tpu.memref_slice %arg12[%dma_start3A_151, %dma_start3A_152] : memref<64x384xf32, #tpu.memory_space<vmem>> -> memref<16x384xf32, #tpu.memory_space<vmem>>
          %dma_start3A_154 = arith.constant 0 : i32
          %dma_start3A_155 = arith.constant 0 : i32
          %dma_start3A_156 = tpu.memref_slice %arg6[%dma_start3A_154, %dma_start3A_155] : memref<20008x384xf32, #tpu.memory_space<hbm>> -> memref<20008x384xf32, #tpu.memory_space<hbm>>
          tpu.enqueue_indirect_dma source(%dma_start3A_153 : memref<16x384xf32, #tpu.memory_space<vmem>>) target(%dma_start3A_156 : memref<20008x384xf32, #tpu.memory_space<hbm>>) offsets(%get3A_145 : vector<16xi32>) semaphore(%run_scoped3A : memref<!tpu.dma_semaphore, #tpu.memory_space<semaphore_mem>>) {add = true}
          %dma_wait3A_157 = arith.constant 32 : i32
          %dma_wait3A_158 = arith.constant 0 : i32
          %dma_wait3A_159 = tpu.memref_slice %arg12[%dma_wait3A_157, %dma_wait3A_158] : memref<64x384xf32, #tpu.memory_space<vmem>> -> memref<16x384xf32, #tpu.memory_space<vmem>>
          %dma_wait3A_160 = arith.constant 0 : i32
          %dma_wait3A_161 = arith.constant 0 : i32
          %dma_wait3A_162 = tpu.memref_slice %arg6[%dma_wait3A_160, %dma_wait3A_161] : memref<20008x384xf32, #tpu.memory_space<hbm>> -> memref<20008x384xf32, #tpu.memory_space<hbm>>
          tpu.wait_indirect_dma semaphore(%run_scoped3A : memref<!tpu.dma_semaphore, #tpu.memory_space<semaphore_mem>>) src(%dma_wait3A_159 : memref<16x384xf32, #tpu.memory_space<vmem>>) dst(%dma_wait3A_162 : memref<20008x384xf32, #tpu.memory_space<hbm>>)
          tpu.yield
        }) : () -> ()
        %add3A_146 = arith.constant 48 : i32
        %add3A_147 = arith.addi %mul3A_107, %add3A_146 : i32
        %get3A_148 = arith.index_cast %add3A_147 : i32 to index
        %get3A_149 = tpu.vector_load %arg10[%get3A_148] {strides = array<i32>} : memref<4080xi32, #tpu.memory_space<vmem>>, vector<16xi32>,
        "tpu.region"() ({
          %run_scoped3A = tpu.sem_alloc : memref<!tpu.dma_semaphore, #tpu.memory_space<semaphore_mem>>
          %dma_start3A_151 = arith.constant 48 : i32
          %dma_start3A_152 = arith.constant 0 : i32
          %dma_start3A_153 = tpu.memref_slice %arg12[%dma_start3A_151, %dma_start3A_152] : memref<64x384xf32, #tpu.memory_space<vmem>> -> memref<16x384xf32, #tpu.memory_space<vmem>>
          %dma_start3A_154 = arith.constant 0 : i32
          %dma_start3A_155 = arith.constant 0 : i32
          %dma_start3A_156 = tpu.memref_slice %arg6[%dma_start3A_154, %dma_start3A_155] : memref<20008x384xf32, #tpu.memory_space<hbm>> -> memref<20008x384xf32, #tpu.memory_space<hbm>>
          tpu.enqueue_indirect_dma source(%dma_start3A_153 : memref<16x384xf32, #tpu.memory_space<vmem>>) target(%dma_start3A_156 : memref<20008x384xf32, #tpu.memory_space<hbm>>) offsets(%get3A_149 : vector<16xi32>) semaphore(%run_scoped3A : memref<!tpu.dma_semaphore, #tpu.memory_space<semaphore_mem>>) {add = true}
          %dma_wait3A_157 = arith.constant 48 : i32
          %dma_wait3A_158 = arith.constant 0 : i32
          %dma_wait3A_159 = tpu.memref_slice %arg12[%dma_wait3A_157, %dma_wait3A_158] : memref<64x384xf32, #tpu.memory_space<vmem>> -> memref<16x384xf32, #tpu.memory_space<vmem>>
          %dma_wait3A_160 = arith.constant 0 : i32
          %dma_wait3A_161 = arith.constant 0 : i32
          %dma_wait3A_162 = tpu.memref_slice %arg6[%dma_wait3A_160, %dma_wait3A_161] : memref<20008x384xf32, #tpu.memory_space<hbm>> -> memref<20008x384xf32, #tpu.memory_space<hbm>>
          tpu.wait_indirect_dma semaphore(%run_scoped3A : memref<!tpu.dma_semaphore, #tpu.memory_space<semaphore_mem>>) src(%dma_wait3A_159 : memref<16x384xf32, #tpu.memory_space<vmem>>) dst(%dma_wait3A_162 : memref<20008x384xf32, #tpu.memory_space<hbm>>)
          tpu.yield
        }) : () -> ()
        %while3A_150 = arith.constant 0 : i32
        scf.yield %while3A_150 : i32
      }
      %while3A_101 = arith.constant 1 : i32
      %while3A_102 = scf.for %while3A_104 = %while3A_98 to %while3A_94 step %while3A_101 iter_args(%while3A_105 = %while3A_100) -> (i32)  : i32 {
        %mul3A_106 = arith.constant 64 : i32
        %mul3A_107 = arith.muli %while3A_104, %mul3A_106 : i32
        %add3A_108 = arith.constant 0 : i32
        %add3A_109 = arith.addi %mul3A_107, %add3A_108 : i32
        %get3A = arith.index_cast %add3A_109 : i32 to index
        %get3A_110 = tpu.vector_load %arg9[%get3A] {strides = array<i32>} : memref<4080xi32, #tpu.memory_space<vmem>>, vector<16xi32>,
        %swap3A = arith.constant 0 : index
        %swap3A_111 = tpu.vector_load %arg11[%swap3A] {strides = array<i32>} : memref<64xi32, #tpu.memory_space<vmem>>, vector<16xi32>,
        tpu.vector_store %arg11[%swap3A], %get3A_110 {strides = array<i32>} : memref<64xi32, #tpu.memory_space<vmem>>, vector<16xi32>,
        %add3A_112 = arith.constant 16 : i32
        %add3A_113 = arith.addi %mul3A_107, %add3A_112 : i32
        %get3A_114 = arith.index_cast %add3A_113 : i32 to index
        %get3A_115 = tpu.vector_load %arg9[%get3A_114] {strides = array<i32>} : memref<4080xi32, #tpu.memory_space<vmem>>, vector<16xi32>,
        %swap3A_116 = arith.constant 16 : index
        %swap3A_117 = tpu.vector_load %arg11[%swap3A_116] {strides = array<i32>} : memref<64xi32, #tpu.memory_space<vmem>>, vector<16xi32>,
        tpu.vector_store %arg11[%swap3A_116], %get3A_115 {strides = array<i32>} : memref<64xi32, #tpu.memory_space<vmem>>, vector<16xi32>,
        %add3A_118 = arith.constant 32 : i32
        %add3A_119 = arith.addi %mul3A_107, %add3A_118 : i32
        %get3A_120 = arith.index_cast %add3A_119 : i32 to index
        %get3A_121 = tpu.vector_load %arg9[%get3A_120] {strides = array<i32>} : memref<4080xi32, #tpu.memory_space<vmem>>, vector<16xi32>,
        %swap3A_122 = arith.constant 32 : index
        %swap3A_123 = tpu.vector_load %arg11[%swap3A_122] {strides = array<i32>} : memref<64xi32, #tpu.memory_space<vmem>>, vector<16xi32>,
        tpu.vector_store %arg11[%swap3A_122], %get3A_121 {strides = array<i32>} : memref<64xi32, #tpu.memory_space<vmem>>, vector<16xi32>,
        %add3A_124 = arith.constant 48 : i32
        %add3A_125 = arith.addi %mul3A_107, %add3A_124 : i32
        %get3A_126 = arith.index_cast %add3A_125 : i32 to index
        %get3A_127 = tpu.vector_load %arg9[%get3A_126] {strides = array<i32>} : memref<4080xi32, #tpu.memory_space<vmem>>, vector<16xi32>,
        %swap3A_128 = arith.constant 48 : index
        %swap3A_129 = tpu.vector_load %arg11[%swap3A_128] {strides = array<i32>} : memref<64xi32, #tpu.memory_space<vmem>>, vector<16xi32>,
        tpu.vector_store %arg11[%swap3A_128], %get3A_127 {strides = array<i32>} : memref<64xi32, #tpu.memory_space<vmem>>, vector<16xi32>,
        %dma_start3A = arith.constant 0 : i32
        %dma_start3A_130 = arith.constant 0 : i32
        %dma_start3A_131 = tpu.memref_slice %arg2[%dma_start3A, %dma_start3A_130] : memref<10000x384xf32, #tpu.memory_space<hbm>> -> memref<10000x384xf32, #tpu.memory_space<hbm>>
        tpu.enqueue_indirect_dma source(%dma_start3A_131 : memref<10000x384xf32, #tpu.memory_space<hbm>>) target(%arg12 : memref<64x384xf32, #tpu.memory_space<vmem>>) offsets(%arg11 : memref<64xi32, #tpu.memory_space<vmem>>) semaphore(%arg14 : memref<!tpu.dma_semaphore, #tpu.memory_space<semaphore_mem>>)
        %dma_wait3A = arith.constant 0 : i32
        %dma_wait3A_132 = arith.constant 0 : i32
        %dma_wait3A_133 = tpu.memref_slice %arg2[%dma_wait3A, %dma_wait3A_132] : memref<10000x384xf32, #tpu.memory_space<hbm>> -> memref<10000x384xf32, #tpu.memory_space<hbm>>
        tpu.wait_indirect_dma semaphore(%arg14 : memref<!tpu.dma_semaphore, #tpu.memory_space<semaphore_mem>>) src(%dma_wait3A_133 : memref<10000x384xf32, #tpu.memory_space<hbm>>) dst(%arg12 : memref<64x384xf32, #tpu.memory_space<vmem>>)
        %add3A_134 = arith.constant 0 : i32
        %add3A_135 = arith.addi %mul3A_107, %add3A_134 : i32
        %get3A_136 = arith.index_cast %add3A_135 : i32 to index
        %get3A_137 = tpu.vector_load %arg10[%get3A_136] {strides = array<i32>} : memref<4080xi32, #tpu.memory_space<vmem>>, vector<16xi32>,
        "tpu.region"() ({
          %run_scoped3A = tpu.sem_alloc : memref<!tpu.dma_semaphore, #tpu.memory_space<semaphore_mem>>
          %dma_start3A_151 = arith.constant 0 : i32
          %dma_start3A_152 = arith.constant 0 : i32
          %dma_start3A_153 = tpu.memref_slice %arg12[%dma_start3A_151, %dma_start3A_152] : memref<64x384xf32, #tpu.memory_space<vmem>> -> memref<16x384xf32, #tpu.memory_space<vmem>>
          %dma_start3A_154 = arith.constant 0 : i32
          %dma_start3A_155 = arith.constant 0 : i32
          %dma_start3A_156 = tpu.memref_slice %arg6[%dma_start3A_154, %dma_start3A_155] : memref<20008x384xf32, #tpu.memory_space<hbm>> -> memref<20008x384xf32, #tpu.memory_space<hbm>>
          tpu.enqueue_indirect_dma source(%dma_start3A_153 : memref<16x384xf32, #tpu.memory_space<vmem>>) target(%dma_start3A_156 : memref<20008x384xf32, #tpu.memory_space<hbm>>) offsets(%get3A_137 : vector<16xi32>) semaphore(%run_scoped3A : memref<!tpu.dma_semaphore, #tpu.memory_space<semaphore_mem>>) {add = true}
          %dma_wait3A_157 = arith.constant 0 : i32
          %dma_wait3A_158 = arith.constant 0 : i32
          %dma_wait3A_159 = tpu.memref_slice %arg12[%dma_wait3A_157, %dma_wait3A_158] : memref<64x384xf32, #tpu.memory_space<vmem>> -> memref<16x384xf32, #tpu.memory_space<vmem>>
          %dma_wait3A_160 = arith.constant 0 : i32
          %dma_wait3A_161 = arith.constant 0 : i32
          %dma_wait3A_162 = tpu.memref_slice %arg6[%dma_wait3A_160, %dma_wait3A_161] : memref<20008x384xf32, #tpu.memory_space<hbm>> -> memref<20008x384xf32, #tpu.memory_space<hbm>>
          tpu.wait_indirect_dma semaphore(%run_scoped3A : memref<!tpu.dma_semaphore, #tpu.memory_space<semaphore_mem>>) src(%dma_wait3A_159 : memref<16x384xf32, #tpu.memory_space<vmem>>) dst(%dma_wait3A_162 : memref<20008x384xf32, #tpu.memory_space<hbm>>)
          tpu.yield
        }) : () -> ()
        %add3A_138 = arith.constant 16 : i32
        %add3A_139 = arith.addi %mul3A_107, %add3A_138 : i32
        %get3A_140 = arith.index_cast %add3A_139 : i32 to index
        %get3A_141 = tpu.vector_load %arg10[%get3A_140] {strides = array<i32>} : memref<4080xi32, #tpu.memory_space<vmem>>, vector<16xi32>,
        "tpu.region"() ({
          %run_scoped3A = tpu.sem_alloc : memref<!tpu.dma_semaphore, #tpu.memory_space<semaphore_mem>>
          %dma_start3A_151 = arith.constant 16 : i32
          %dma_start3A_152 = arith.constant 0 : i32
          %dma_start3A_153 = tpu.memref_slice %arg12[%dma_start3A_151, %dma_start3A_152] : memref<64x384xf32, #tpu.memory_space<vmem>> -> memref<16x384xf32, #tpu.memory_space<vmem>>
          %dma_start3A_154 = arith.constant 0 : i32
          %dma_start3A_155 = arith.constant 0 : i32
          %dma_start3A_156 = tpu.memref_slice %arg6[%dma_start3A_154, %dma_start3A_155] : memref<20008x384xf32, #tpu.memory_space<hbm>> -> memref<20008x384xf32, #tpu.memory_space<hbm>>
          tpu.enqueue_indirect_dma source(%dma_start3A_153 : memref<16x384xf32, #tpu.memory_space<vmem>>) target(%dma_start3A_156 : memref<20008x384xf32, #tpu.memory_space<hbm>>) offsets(%get3A_141 : vector<16xi32>) semaphore(%run_scoped3A : memref<!tpu.dma_semaphore, #tpu.memory_space<semaphore_mem>>) {add = true}
          %dma_wait3A_157 = arith.constant 16 : i32
          %dma_wait3A_158 = arith.constant 0 : i32
          %dma_wait3A_159 = tpu.memref_slice %arg12[%dma_wait3A_157, %dma_wait3A_158] : memref<64x384xf32, #tpu.memory_space<vmem>> -> memref<16x384xf32, #tpu.memory_space<vmem>>
          %dma_wait3A_160 = arith.constant 0 : i32
          %dma_wait3A_161 = arith.constant 0 : i32
          %dma_wait3A_162 = tpu.memref_slice %arg6[%dma_wait3A_160, %dma_wait3A_161] : memref<20008x384xf32, #tpu.memory_space<hbm>> -> memref<20008x384xf32, #tpu.memory_space<hbm>>
          tpu.wait_indirect_dma semaphore(%run_scoped3A : memref<!tpu.dma_semaphore, #tpu.memory_space<semaphore_mem>>) src(%dma_wait3A_159 : memref<16x384xf32, #tpu.memory_space<vmem>>) dst(%dma_wait3A_162 : memref<20008x384xf32, #tpu.memory_space<hbm>>)
          tpu.yield
        }) : () -> ()
        %add3A_142 = arith.constant 32 : i32
        %add3A_143 = arith.addi %mul3A_107, %add3A_142 : i32
        %get3A_144 = arith.index_cast %add3A_143 : i32 to index
        %get3A_145 = tpu.vector_load %arg10[%get3A_144] {strides = array<i32>} : memref<4080xi32, #tpu.memory_space<vmem>>, vector<16xi32>,
        "tpu.region"() ({
          %run_scoped3A = tpu.sem_alloc : memref<!tpu.dma_semaphore, #tpu.memory_space<semaphore_mem>>
          %dma_start3A_151 = arith.constant 32 : i32
          %dma_start3A_152 = arith.constant 0 : i32
          %dma_start3A_153 = tpu.memref_slice %arg12[%dma_start3A_151, %dma_start3A_152] : memref<64x384xf32, #tpu.memory_space<vmem>> -> memref<16x384xf32, #tpu.memory_space<vmem>>
          %dma_start3A_154 = arith.constant 0 : i32
          %dma_start3A_155 = arith.constant 0 : i32
          %dma_start3A_156 = tpu.memref_slice %arg6[%dma_start3A_154, %dma_start3A_155] : memref<20008x384xf32, #tpu.memory_space<hbm>> -> memref<20008x384xf32, #tpu.memory_space<hbm>>
          tpu.enqueue_indirect_dma source(%dma_start3A_153 : memref<16x384xf32, #tpu.memory_space<vmem>>) target(%dma_start3A_156 : memref<20008x384xf32, #tpu.memory_space<hbm>>) offsets(%get3A_145 : vector<16xi32>) semaphore(%run_scoped3A : memref<!tpu.dma_semaphore, #tpu.memory_space<semaphore_mem>>) {add = true}
          %dma_wait3A_157 = arith.constant 32 : i32
          %dma_wait3A_158 = arith.constant 0 : i32
          %dma_wait3A_159 = tpu.memref_slice %arg12[%dma_wait3A_157, %dma_wait3A_158] : memref<64x384xf32, #tpu.memory_space<vmem>> -> memref<16x384xf32, #tpu.memory_space<vmem>>
          %dma_wait3A_160 = arith.constant 0 : i32
          %dma_wait3A_161 = arith.constant 0 : i32
          %dma_wait3A_162 = tpu.memref_slice %arg6[%dma_wait3A_160, %dma_wait3A_161] : memref<20008x384xf32, #tpu.memory_space<hbm>> -> memref<20008x384xf32, #tpu.memory_space<hbm>>
          tpu.wait_indirect_dma semaphore(%run_scoped3A : memref<!tpu.dma_semaphore, #tpu.memory_space<semaphore_mem>>) src(%dma_wait3A_159 : memref<16x384xf32, #tpu.memory_space<vmem>>) dst(%dma_wait3A_162 : memref<20008x384xf32, #tpu.memory_space<hbm>>)
          tpu.yield
        }) : () -> ()
        %add3A_146 = arith.constant 48 : i32
        %add3A_147 = arith.addi %mul3A_107, %add3A_146 : i32
        %get3A_148 = arith.index_cast %add3A_147 : i32 to index
        %get3A_149 = tpu.vector_load %arg10[%get3A_148] {strides = array<i32>} : memref<4080xi32, #tpu.memory_space<vmem>>, vector<16xi32>,
        "tpu.region"() ({
          %run_scoped3A = tpu.sem_alloc : memref<!tpu.dma_semaphore, #tpu.memory_space<semaphore_mem>>
          %dma_start3A_151 = arith.constant 48 : i32
          %dma_start3A_152 = arith.constant 0 : i32
          %dma_start3A_153 = tpu.memref_slice %arg12[%dma_start3A_151, %dma_start3A_152] : memref<64x384xf32, #tpu.memory_space<vmem>> -> memref<16x384xf32, #tpu.memory_space<vmem>>
          %dma_start3A_154 = arith.constant 0 : i32
          %dma_start3A_155 = arith.constant 0 : i32
          %dma_start3A_156 = tpu.memref_slice %arg6[%dma_start3A_154, %dma_start3A_155] : memref<20008x384xf32, #tpu.memory_space<hbm>> -> memref<20008x384xf32, #tpu.memory_space<hbm>>
          tpu.enqueue_indirect_dma source(%dma_start3A_153 : memref<16x384xf32, #tpu.memory_space<vmem>>) target(%dma_start3A_156 : memref<20008x384xf32, #tpu.memory_space<hbm>>) offsets(%get3A_149 : vector<16xi32>) semaphore(%run_scoped3A : memref<!tpu.dma_semaphore, #tpu.memory_space<semaphore_mem>>) {add = true}
          %dma_wait3A_157 = arith.constant 48 : i32
          %dma_wait3A_158 = arith.constant 0 : i32
          %dma_wait3A_159 = tpu.memref_slice %arg12[%dma_wait3A_157, %dma_wait3A_158] : memref<64x384xf32, #tpu.memory_space<vmem>> -> memref<16x384xf32, #tpu.memory_space<vmem>>
          %dma_wait3A_160 = arith.constant 0 : i32
          %dma_wait3A_161 = arith.constant 0 : i32
          %dma_wait3A_162 = tpu.memref_slice %arg6[%dma_wait3A_160, %dma_wait3A_161] : memref<20008x384xf32, #tpu.memory_space<hbm>> -> memref<20008x384xf32, #tpu.memory_space<hbm>>
          tpu.wait_indirect_dma semaphore(%run_scoped3A : memref<!tpu.dma_semaphore, #tpu.memory_space<semaphore_mem>>) src(%dma_wait3A_159 : memref<16x384xf32, #tpu.memory_space<vmem>>) dst(%dma_wait3A_162 : memref<20008x384xf32, #tpu.memory_space<hbm>>)
          tpu.yield
        }) : () -> ()
        %while3A_150 = arith.constant 0 : i32
        scf.yield %while3A_150 : i32
      }
      %scan3A_103 = arith.constant 0 : i32
      scf.yield %scan3A_103 : i32
    }
    %scan3A_20 = arith.constant 5 : i32
    return
  }
}

#map = affine_map<(d0, d1) -> (0, 0)>
#map1 = affine_map<(d0, d1) -> (0)>
module attributes {stable_mosaic.version = 14 : i64} {
  func.func @stage(%arg0: i32, %arg1: i32, %arg2: memref<20000x256xf32, #tpu.memory_space<hbm>>, %arg3: memref<320000xi32, #tpu.memory_space<hbm>>, %arg4: memref<320000xi32, #tpu.memory_space<hbm>>, %arg5: memref<16x256xf32, #tpu.memory_space<hbm>>, %arg6: memref<10008x256xf32, #tpu.memory_space<hbm>>, %arg7: memref<4000xi32, #tpu.memory_space<vmem>>, %arg8: memref<4000xi32, #tpu.memory_space<vmem>>, %arg9: memref<4080xi32, #tpu.memory_space<vmem>>, %arg10: memref<4080xi32, #tpu.memory_space<vmem>>, %arg11: memref<64xi32, #tpu.memory_space<vmem>>, %arg12: memref<64x256xf32, #tpu.memory_space<vmem>>, %arg13: memref<16x256xf32, #tpu.memory_space<vmem>>, %arg14: memref<!tpu.dma_semaphore, #tpu.memory_space<semaphore_mem>>) attributes {dimension_semantics = [#tpu.dimension_semantics<core_parallel>, #tpu.dimension_semantics<subcore_parallel>], iteration_bounds = array<i64: 2, 16>, scalar_prefetch = 0 : i64, scratch_operands = 8 : i64, tpu.core_type = #tpu.core_type<sc_vector_subcore>, window_params = [{transform_indices = #map}, {transform_indices = #map1}, {transform_indices = #map1}, {transform_indices = #map}, {transform_indices = #map}]} {
    %mul3A = arith.constant 5008 : i32
    %mul3A_0 = arith.muli %arg0, %mul3A : i32
    %eq3A = arith.constant 0 : i32
    %eq3A_1 = arith.cmpi eq, %arg0, %eq3A : i32
    %jit3A = arith.constant 5008 : i32
    %jit3A_2 = arith.constant 4992 : i32
    %select_n3A = arith.select %eq3A_1, %jit3A, %jit3A_2 : i32
    %eq3A_3 = arith.constant 0 : i32
    %eq3A_4 = arith.cmpi eq, %arg0, %eq3A_3 : i32
    %jit3A_5 = arith.constant 313 : i32
    %jit3A_6 = arith.constant 312 : i32
    %select_n3A_7 = arith.select %eq3A_4, %jit3A_5, %jit3A_6 : i32
    "tpu.region"() ({
      %run_scoped3A = tpu.sem_alloc : memref<!tpu.dma_semaphore, #tpu.memory_space<semaphore_mem>>
      tpu.enqueue_dma source(%arg5 : memref<16x256xf32, #tpu.memory_space<hbm>>) target(%arg13 : memref<16x256xf32, #tpu.memory_space<vmem>>) target_semaphore(%run_scoped3A : memref<!tpu.dma_semaphore, #tpu.memory_space<semaphore_mem>>)
      tpu.wait_dma2 semaphore(%run_scoped3A : memref<!tpu.dma_semaphore, #tpu.memory_space<semaphore_mem>>) src(%arg5 : memref<16x256xf32, #tpu.memory_space<hbm>>) dst(%arg13 : memref<16x256xf32, #tpu.memory_space<vmem>>)
      tpu.yield
    }) : () -> ()
    %scan3A = arith.constant 0 : i32
    %scan3A_8 = arith.constant 0 : i32
    %scan3A_9 = arith.constant 20 : i32
    %scan3A_10 = arith.addi %scan3A_8, %scan3A_9 : i32
    %scan3A_11 = arith.constant 1 : i32
    %scan3A_12 = scf.for %scan3A_21 = %scan3A_8 to %scan3A_10 step %scan3A_11 iter_args(%scan3A_22 = %scan3A) -> (i32)  : i32 {
      %mul3A_23 = arith.constant 16 : i32
      %mul3A_24 = arith.muli %mul3A_23, %scan3A_21 : i32
      %add3A = arith.addi %arg1, %mul3A_24 : i32
      %lt3A = arith.cmpi slt, %add3A, %select_n3A_7 : i32
      %convert_element_type3A = arith.extui %lt3A : i1 to i32
      %cond3A = arith.constant 0 : i32
      %cond3A_25 = arith.cmpi ne, %convert_element_type3A, %cond3A : i32
      scf.if %cond3A_25 {
        %mul3A_27 = arith.constant 16 : i32
        %mul3A_28 = arith.muli %add3A, %mul3A_27 : i32
        %add3A_29 = arith.addi %mul3A_0, %mul3A_28 : i32
        "tpu.region"() ({
          %run_scoped3A = tpu.sem_alloc : memref<!tpu.dma_semaphore, #tpu.memory_space<semaphore_mem>>
          %dma_start3A = arith.constant 0 : i32
          %dma_start3A_30 = tpu.memref_slice %arg6[%add3A_29, %dma_start3A] : memref<10008x256xf32, #tpu.memory_space<hbm>> -> memref<16x256xf32, #tpu.memory_space<hbm>>
          %dma_start3A_31 = arith.constant 0 : i32
          %dma_start3A_32 = tpu.memref_slice %arg6[%add3A_29, %dma_start3A_31] : memref<10008x256xf32, #tpu.memory_space<hbm>> -> memref<16x256xf32, #tpu.memory_space<hbm>>
          tpu.enqueue_dma source(%arg13 : memref<16x256xf32, #tpu.memory_space<vmem>>) target(%dma_start3A_32 : memref<16x256xf32, #tpu.memory_space<hbm>>) target_semaphore(%run_scoped3A : memref<!tpu.dma_semaphore, #tpu.memory_space<semaphore_mem>>)
          %dma_wait3A = arith.constant 0 : i32
          %dma_wait3A_33 = tpu.memref_slice %arg6[%add3A_29, %dma_wait3A] : memref<10008x256xf32, #tpu.memory_space<hbm>> -> memref<16x256xf32, #tpu.memory_space<hbm>>
          %dma_wait3A_34 = arith.constant 0 : i32
          %dma_wait3A_35 = tpu.memref_slice %arg6[%add3A_29, %dma_wait3A_34] : memref<10008x256xf32, #tpu.memory_space<hbm>> -> memref<16x256xf32, #tpu.memory_space<hbm>>
          tpu.wait_dma2 semaphore(%run_scoped3A : memref<!tpu.dma_semaphore, #tpu.memory_space<semaphore_mem>>) src(%arg13 : memref<16x256xf32, #tpu.memory_space<vmem>>) dst(%dma_wait3A_35 : memref<16x256xf32, #tpu.memory_space<hbm>>)
          tpu.yield
        }) : () -> ()
      } else {
      }
      %scan3A_26 = arith.constant 0 : i32
      scf.yield %scan3A_26 : i32
    }
    %scan3A_13 = arith.constant 20 : i32
    %barrier3A = arith.constant 0 : index
    tpu.barrier barrier_id(%barrier3A)
    %scan3A_14 = arith.constant 0 : i32
    %scan3A_15 = arith.constant 0 : i32
    %scan3A_16 = arith.constant 5 : i32
    %scan3A_17 = arith.addi %scan3A_15, %scan3A_16 : i32
    %scan3A_18 = arith.constant 1 : i32
    %scan3A_19 = scf.for %scan3A_21 = %scan3A_15 to %scan3A_17 step %scan3A_18 iter_args(%scan3A_22 = %scan3A_14) -> (i32)  : i32 {
      %mul3A_23 = arith.constant 20000 : i32
      %mul3A_24 = arith.muli %arg1, %mul3A_23 : i32
      %mul3A_25 = arith.constant 4000 : i32
      %mul3A_26 = arith.muli %scan3A_21, %mul3A_25 : i32
      %add3A = arith.addi %mul3A_24, %mul3A_26 : i32
      "tpu.region"() ({
        %run_scoped3A = tpu.sem_alloc : memref<!tpu.dma_semaphore, #tpu.memory_space<semaphore_mem>>
        %dma_start3A = tpu.memref_slice %arg3[%add3A] : memref<320000xi32, #tpu.memory_space<hbm>> -> memref<4000xi32, #tpu.memory_space<hbm>>
        %dma_start3A_104 = tpu.memref_slice %arg3[%add3A] : memref<320000xi32, #tpu.memory_space<hbm>> -> memref<4000xi32, #tpu.memory_space<hbm>>
        tpu.enqueue_dma source(%dma_start3A_104 : memref<4000xi32, #tpu.memory_space<hbm>>) target(%arg7 : memref<4000xi32, #tpu.memory_space<vmem>>) target_semaphore(%run_scoped3A : memref<!tpu.dma_semaphore, #tpu.memory_space<semaphore_mem>>)
        %dma_wait3A = tpu.memref_slice %arg3[%add3A] : memref<320000xi32, #tpu.memory_space<hbm>> -> memref<4000xi32, #tpu.memory_space<hbm>>
        %dma_wait3A_105 = tpu.memref_slice %arg3[%add3A] : memref<320000xi32, #tpu.memory_space<hbm>> -> memref<4000xi32, #tpu.memory_space<hbm>>
        tpu.wait_dma2 semaphore(%run_scoped3A : memref<!tpu.dma_semaphore, #tpu.memory_space<semaphore_mem>>) src(%dma_wait3A_105 : memref<4000xi32, #tpu.memory_space<hbm>>) dst(%arg7 : memref<4000xi32, #tpu.memory_space<vmem>>)
        tpu.yield
      }) : () -> ()
      "tpu.region"() ({
        %run_scoped3A = tpu.sem_alloc : memref<!tpu.dma_semaphore, #tpu.memory_space<semaphore_mem>>
        %dma_start3A = tpu.memref_slice %arg4[%add3A] : memref<320000xi32, #tpu.memory_space<hbm>> -> memref<4000xi32, #tpu.memory_space<hbm>>
        %dma_start3A_104 = tpu.memref_slice %arg4[%add3A] : memref<320000xi32, #tpu.memory_space<hbm>> -> memref<4000xi32, #tpu.memory_space<hbm>>
        tpu.enqueue_dma source(%dma_start3A_104 : memref<4000xi32, #tpu.memory_space<hbm>>) target(%arg8 : memref<4000xi32, #tpu.memory_space<vmem>>) target_semaphore(%run_scoped3A : memref<!tpu.dma_semaphore, #tpu.memory_space<semaphore_mem>>)
        %dma_wait3A = tpu.memref_slice %arg4[%add3A] : memref<320000xi32, #tpu.memory_space<hbm>> -> memref<4000xi32, #tpu.memory_space<hbm>>
        %dma_wait3A_105 = tpu.memref_slice %arg4[%add3A] : memref<320000xi32, #tpu.memory_space<hbm>> -> memref<4000xi32, #tpu.memory_space<hbm>>
        tpu.wait_dma2 semaphore(%run_scoped3A : memref<!tpu.dma_semaphore, #tpu.memory_space<semaphore_mem>>) src(%dma_wait3A_105 : memref<4000xi32, #tpu.memory_space<hbm>>) dst(%arg8 : memref<4000xi32, #tpu.memory_space<vmem>>)
        tpu.yield
      }) : () -> ()
      %scan3A_27 = arith.constant 0 : i32
      %scan3A_28 = arith.constant 0 : i32
      %scan3A_29 = arith.constant 250 : i32
      %scan3A_30 = arith.addi %scan3A_28, %scan3A_29 : i32
      %scan3A_31 = arith.constant 1 : i32
      %scan3A_32 = scf.for %scan3A_104 = %scan3A_28 to %scan3A_30 step %scan3A_31 iter_args(%scan3A_105 = %scan3A_27) -> (i32)  : i32 {
        %mul3A_106 = arith.constant 16 : i32
        %mul3A_107 = arith.muli %scan3A_104, %mul3A_106 : i32
        %get3A = arith.index_cast %mul3A_107 : i32 to index
        %get3A_108 = tpu.vector_load %arg8[%get3A] {strides = array<i32>} : memref<4000xi32, #tpu.memory_space<vmem>>, vector<16xi32>,
        %get3A_109 = arith.index_cast %mul3A_107 : i32 to index
        %get3A_110 = tpu.vector_load %arg7[%get3A_109] {strides = array<i32>} : memref<4000xi32, #tpu.memory_space<vmem>>, vector<16xi32>,
        %ge3A = vector.broadcast %mul3A_0 : i32 to vector<16xi32>
        %ge3A_111 = arith.cmpi sge, %get3A_108, %ge3A : vector<16xi32>
        %add3A_112 = arith.addi %mul3A_0, %select_n3A : i32
        %lt3A = vector.broadcast %add3A_112 : i32 to vector<16xi32>
        %lt3A_113 = arith.cmpi slt, %get3A_108, %lt3A : vector<16xi32>
        %and3A_114 = arith.andi %ge3A_111, %lt3A_113 : vector<16xi1>
        %convert_element_type3A = arith.extui %and3A_114 : vector<16xi1> to vector<16xi32>
        %broadcast_in_dim3A_115 = arith.constant true
        %broadcast_in_dim3A_116 = vector.broadcast %broadcast_in_dim3A_115 : i1 to vector<16xi1>
        %masked_cumsum3A = tpu.scan <sum>, %convert_element_type3A masked %broadcast_in_dim3A_116 : vector<16xi32>, vector<16xi1> -> vector<16xi32>
        %add3A_117 = vector.broadcast %scan3A_105 : i32 to vector<16xi32>
        %add3A_118 = arith.addi %add3A_117, %masked_cumsum3A : vector<16xi32>
        %sub3A_119 = arith.subi %add3A_118, %convert_element_type3A : vector<16xi32>
        tpu.vector_store_idx %arg10[%sub3A_119], %get3A_108 masked %and3A_114 : memref<4080xi32, #tpu.memory_space<vmem>>[vector<16xi32>], vector<16xi32>, vector<16xi1>
        tpu.vector_store_idx %arg9[%sub3A_119], %get3A_110 masked %and3A_114 : memref<4080xi32, #tpu.memory_space<vmem>>[vector<16xi32>], vector<16xi32>, vector<16xi1>
        %reduce_sum3A = arith.constant true
        %reduce_sum3A_120 = vector.broadcast %reduce_sum3A : i1 to vector<16xi1>
        %reduce_sum3A_121 = tpu.scan <sum>, %convert_element_type3A masked %reduce_sum3A_120 : vector<16xi32>, vector<16xi1> -> vector<16xi32>
        %reduce_sum3A_122 = vector.extract %reduce_sum3A_121[15] : i32 from vector<16xi32>
        %add3A_123 = arith.addi %scan3A_105, %reduce_sum3A_122 : i32
        scf.yield %add3A_123 : i32
      }
      %scan3A_33 = arith.constant 250 : i32
      %iota3A = tpu.iota {dimensions = array<i32: 0>} : vector<16xi32>
      %broadcast_in_dim3A = arith.constant 0 : i32
      %broadcast_in_dim3A_34 = vector.broadcast %broadcast_in_dim3A : i32 to vector<16xi32>
      %add3A_35 = arith.constant 10000 : i32
      %add3A_36 = vector.broadcast %add3A_35 : i32 to vector<16xi32>
      %add3A_37 = arith.addi %broadcast_in_dim3A_34, %add3A_36 : vector<16xi32>
      %broadcast_in_dim3A_38 = arith.constant 0 : i32
      %broadcast_in_dim3A_39 = vector.broadcast %broadcast_in_dim3A_38 : i32 to vector<16xi32>
      %add3A_40 = arith.constant 0 : i32
      %add3A_41 = arith.addi %scan3A_32, %add3A_40 : i32
      %add3A_42 = vector.broadcast %add3A_41 : i32 to vector<16xi32>
      %add3A_43 = arith.addi %add3A_42, %iota3A : vector<16xi32>
      tpu.vector_store_idx %arg10[%add3A_43], %add3A_37 : memref<4080xi32, #tpu.memory_space<vmem>>[vector<16xi32>], vector<16xi32>,
      %add3A_44 = arith.constant 0 : i32
      %add3A_45 = arith.addi %scan3A_32, %add3A_44 : i32
      %add3A_46 = vector.broadcast %add3A_45 : i32 to vector<16xi32>
      %add3A_47 = arith.addi %add3A_46, %iota3A : vector<16xi32>
      tpu.vector_store_idx %arg9[%add3A_47], %broadcast_in_dim3A_39 : memref<4080xi32, #tpu.memory_space<vmem>>[vector<16xi32>], vector<16xi32>,
      %add3A_48 = arith.constant 16 : i32
      %add3A_49 = arith.addi %scan3A_32, %add3A_48 : i32
      %add3A_50 = vector.broadcast %add3A_49 : i32 to vector<16xi32>
      %add3A_51 = arith.addi %add3A_50, %iota3A : vector<16xi32>
      tpu.vector_store_idx %arg10[%add3A_51], %add3A_37 : memref<4080xi32, #tpu.memory_space<vmem>>[vector<16xi32>], vector<16xi32>,
      %add3A_52 = arith.constant 16 : i32
      %add3A_53 = arith.addi %scan3A_32, %add3A_52 : i32
      %add3A_54 = vector.broadcast %add3A_53 : i32 to vector<16xi32>
      %add3A_55 = arith.addi %add3A_54, %iota3A : vector<16xi32>
      tpu.vector_store_idx %arg9[%add3A_55], %broadcast_in_dim3A_39 : memref<4080xi32, #tpu.memory_space<vmem>>[vector<16xi32>], vector<16xi32>,
      %add3A_56 = arith.constant 32 : i32
      %add3A_57 = arith.addi %scan3A_32, %add3A_56 : i32
      %add3A_58 = vector.broadcast %add3A_57 : i32 to vector<16xi32>
      %add3A_59 = arith.addi %add3A_58, %iota3A : vector<16xi32>
      tpu.vector_store_idx %arg10[%add3A_59], %add3A_37 : memref<4080xi32, #tpu.memory_space<vmem>>[vector<16xi32>], vector<16xi32>,
      %add3A_60 = arith.constant 32 : i32
      %add3A_61 = arith.addi %scan3A_32, %add3A_60 : i32
      %add3A_62 = vector.broadcast %add3A_61 : i32 to vector<16xi32>
      %add3A_63 = arith.addi %add3A_62, %iota3A : vector<16xi32>
      tpu.vector_store_idx %arg9[%add3A_63], %broadcast_in_dim3A_39 : memref<4080xi32, #tpu.memory_space<vmem>>[vector<16xi32>], vector<16xi32>,
      %add3A_64 = arith.constant 48 : i32
      %add3A_65 = arith.addi %scan3A_32, %add3A_64 : i32
      %add3A_66 = vector.broadcast %add3A_65 : i32 to vector<16xi32>
      %add3A_67 = arith.addi %add3A_66, %iota3A : vector<16xi32>
      tpu.vector_store_idx %arg10[%add3A_67], %add3A_37 : memref<4080xi32, #tpu.memory_space<vmem>>[vector<16xi32>], vector<16xi32>,
      %add3A_68 = arith.constant 48 : i32
      %add3A_69 = arith.addi %scan3A_32, %add3A_68 : i32
      %add3A_70 = vector.broadcast %add3A_69 : i32 to vector<16xi32>
      %add3A_71 = arith.addi %add3A_70, %iota3A : vector<16xi32>
      tpu.vector_store_idx %arg9[%add3A_71], %broadcast_in_dim3A_39 : memref<4080xi32, #tpu.memory_space<vmem>>[vector<16xi32>], vector<16xi32>,
      %add3A_72 = arith.constant 63 : i32
      %add3A_73 = arith.addi %scan3A_32, %add3A_72 : i32
      %jit3A_74 = arith.constant 64 : i32
      %div3A = arith.divsi %add3A_73, %jit3A_74 : i32
      %sign3A = arith.constant 0 : i32
      %sign3A_75 = arith.cmpi sgt, %add3A_73, %sign3A : i32
      %sign3A_76 = arith.extui %sign3A_75 : i1 to i32
      %sign3A_77 = arith.constant 0 : i32
      %sign3A_78 = arith.cmpi slt, %add3A_73, %sign3A_77 : i32
      %sign3A_79 = arith.extui %sign3A_78 : i1 to i32
      %sign3A_80 = arith.subi %sign3A_76, %sign3A_79 : i32
      %sign3A_81 = arith.constant 0 : i32
      %sign3A_82 = arith.cmpi sgt, %jit3A_74, %sign3A_81 : i32
      %sign3A_83 = arith.extui %sign3A_82 : i1 to i32
      %sign3A_84 = arith.constant 0 : i32
      %sign3A_85 = arith.cmpi slt, %jit3A_74, %sign3A_84 : i32
      %sign3A_86 = arith.extui %sign3A_85 : i1 to i32
      %sign3A_87 = arith.subi %sign3A_83, %sign3A_86 : i32
      %ne3A = arith.cmpi ne, %sign3A_80, %sign3A_87 : i32
      %rem3A = arith.remsi %add3A_73, %jit3A_74 : i32
      %ne3A_88 = arith.constant 0 : i32
      %ne3A_89 = arith.cmpi ne, %rem3A, %ne3A_88 : i32
      %and3A = arith.andi %ne3A, %ne3A_89 : i1
      %sub3A = arith.constant 1 : i32
      %sub3A_90 = arith.subi %div3A, %sub3A : i32
      %select_n3A_91 = arith.select %and3A, %sub3A_90, %div3A : i32
      %while3A = arith.constant 0 : i32
      %while3A_92 = arith.constant 0 : i32
      %while3A_93 = arith.subi %select_n3A_91, %while3A : i32
      %while3A_94 = arith.addi %while3A, %while3A_93 : i32
      %while3A_95 = arith.constant 1 : i32
      %while3A_96 = arith.divsi %while3A_93, %while3A_95 : i32
      %while3A_97 = arith.muli %while3A_96, %while3A_95 : i32
      %while3A_98 = arith.addi %while3A, %while3A_97 : i32
      %while3A_99 = arith.constant 1 : i32
      %while3A_100 = scf.for %while3A_104 = %while3A to %while3A_98 step %while3A_99 iter_args(%while3A_105 = %while3A_92) -> (i32)  : i32 {
        %mul3A_106 = arith.constant 64 : i32
        %mul3A_107 = arith.muli %while3A_104, %mul3A_106 : i32
        %add3A_108 = arith.constant 0 : i32
        %add3A_109 = arith.addi %mul3A_107, %add3A_108 : i32
        %get3A = arith.index_cast %add3A_109 : i32 to index
        %get3A_110 = tpu.vector_load %arg9[%get3A] {strides = array<i32>} : memref<4080xi32, #tpu.memory_space<vmem>>, vector<16xi32>,
        %swap3A = arith.constant 0 : index
        %swap3A_111 = tpu.vector_load %arg11[%swap3A] {strides = array<i32>} : memref<64xi32, #tpu.memory_space<vmem>>, vector<16xi32>,
        tpu.vector_store %arg11[%swap3A], %get3A_110 {strides = array<i32>} : memref<64xi32, #tpu.memory_space<vmem>>, vector<16xi32>,
        %add3A_112 = arith.constant 16 : i32
        %add3A_113 = arith.addi %mul3A_107, %add3A_112 : i32
        %get3A_114 = arith.index_cast %add3A_113 : i32 to index
        %get3A_115 = tpu.vector_load %arg9[%get3A_114] {strides = array<i32>} : memref<4080xi32, #tpu.memory_space<vmem>>, vector<16xi32>,
        %swap3A_116 = arith.constant 16 : index
        %swap3A_117 = tpu.vector_load %arg11[%swap3A_116] {strides = array<i32>} : memref<64xi32, #tpu.memory_space<vmem>>, vector<16xi32>,
        tpu.vector_store %arg11[%swap3A_116], %get3A_115 {strides = array<i32>} : memref<64xi32, #tpu.memory_space<vmem>>, vector<16xi32>,
        %add3A_118 = arith.constant 32 : i32
        %add3A_119 = arith.addi %mul3A_107, %add3A_118 : i32
        %get3A_120 = arith.index_cast %add3A_119 : i32 to index
        %get3A_121 = tpu.vector_load %arg9[%get3A_120] {strides = array<i32>} : memref<4080xi32, #tpu.memory_space<vmem>>, vector<16xi32>,
        %swap3A_122 = arith.constant 32 : index
        %swap3A_123 = tpu.vector_load %arg11[%swap3A_122] {strides = array<i32>} : memref<64xi32, #tpu.memory_space<vmem>>, vector<16xi32>,
        tpu.vector_store %arg11[%swap3A_122], %get3A_121 {strides = array<i32>} : memref<64xi32, #tpu.memory_space<vmem>>, vector<16xi32>,
        %add3A_124 = arith.constant 48 : i32
        %add3A_125 = arith.addi %mul3A_107, %add3A_124 : i32
        %get3A_126 = arith.index_cast %add3A_125 : i32 to index
        %get3A_127 = tpu.vector_load %arg9[%get3A_126] {strides = array<i32>} : memref<4080xi32, #tpu.memory_space<vmem>>, vector<16xi32>,
        %swap3A_128 = arith.constant 48 : index
        %swap3A_129 = tpu.vector_load %arg11[%swap3A_128] {strides = array<i32>} : memref<64xi32, #tpu.memory_space<vmem>>, vector<16xi32>,
        tpu.vector_store %arg11[%swap3A_128], %get3A_127 {strides = array<i32>} : memref<64xi32, #tpu.memory_space<vmem>>, vector<16xi32>,
        %dma_start3A = arith.constant 0 : i32
        %dma_start3A_130 = arith.constant 0 : i32
        %dma_start3A_131 = tpu.memref_slice %arg2[%dma_start3A, %dma_start3A_130] : memref<20000x256xf32, #tpu.memory_space<hbm>> -> memref<20000x256xf32, #tpu.memory_space<hbm>>
        tpu.enqueue_indirect_dma source(%dma_start3A_131 : memref<20000x256xf32, #tpu.memory_space<hbm>>) target(%arg12 : memref<64x256xf32, #tpu.memory_space<vmem>>) offsets(%arg11 : memref<64xi32, #tpu.memory_space<vmem>>) semaphore(%arg14 : memref<!tpu.dma_semaphore, #tpu.memory_space<semaphore_mem>>)
        %dma_wait3A = arith.constant 0 : i32
        %dma_wait3A_132 = arith.constant 0 : i32
        %dma_wait3A_133 = tpu.memref_slice %arg2[%dma_wait3A, %dma_wait3A_132] : memref<20000x256xf32, #tpu.memory_space<hbm>> -> memref<20000x256xf32, #tpu.memory_space<hbm>>
        tpu.wait_indirect_dma semaphore(%arg14 : memref<!tpu.dma_semaphore, #tpu.memory_space<semaphore_mem>>) src(%dma_wait3A_133 : memref<20000x256xf32, #tpu.memory_space<hbm>>) dst(%arg12 : memref<64x256xf32, #tpu.memory_space<vmem>>)
        %add3A_134 = arith.constant 0 : i32
        %add3A_135 = arith.addi %mul3A_107, %add3A_134 : i32
        %get3A_136 = arith.index_cast %add3A_135 : i32 to index
        %get3A_137 = tpu.vector_load %arg10[%get3A_136] {strides = array<i32>} : memref<4080xi32, #tpu.memory_space<vmem>>, vector<16xi32>,
        "tpu.region"() ({
          %run_scoped3A = tpu.sem_alloc : memref<!tpu.dma_semaphore, #tpu.memory_space<semaphore_mem>>
          %dma_start3A_151 = arith.constant 0 : i32
          %dma_start3A_152 = arith.constant 0 : i32
          %dma_start3A_153 = tpu.memref_slice %arg12[%dma_start3A_151, %dma_start3A_152] : memref<64x256xf32, #tpu.memory_space<vmem>> -> memref<16x256xf32, #tpu.memory_space<vmem>>
          %dma_start3A_154 = arith.constant 0 : i32
          %dma_start3A_155 = arith.constant 0 : i32
          %dma_start3A_156 = tpu.memref_slice %arg6[%dma_start3A_154, %dma_start3A_155] : memref<10008x256xf32, #tpu.memory_space<hbm>> -> memref<10008x256xf32, #tpu.memory_space<hbm>>
          tpu.enqueue_indirect_dma source(%dma_start3A_153 : memref<16x256xf32, #tpu.memory_space<vmem>>) target(%dma_start3A_156 : memref<10008x256xf32, #tpu.memory_space<hbm>>) offsets(%get3A_137 : vector<16xi32>) semaphore(%run_scoped3A : memref<!tpu.dma_semaphore, #tpu.memory_space<semaphore_mem>>) {add = true}
          %dma_wait3A_157 = arith.constant 0 : i32
          %dma_wait3A_158 = arith.constant 0 : i32
          %dma_wait3A_159 = tpu.memref_slice %arg12[%dma_wait3A_157, %dma_wait3A_158] : memref<64x256xf32, #tpu.memory_space<vmem>> -> memref<16x256xf32, #tpu.memory_space<vmem>>
          %dma_wait3A_160 = arith.constant 0 : i32
          %dma_wait3A_161 = arith.constant 0 : i32
          %dma_wait3A_162 = tpu.memref_slice %arg6[%dma_wait3A_160, %dma_wait3A_161] : memref<10008x256xf32, #tpu.memory_space<hbm>> -> memref<10008x256xf32, #tpu.memory_space<hbm>>
          tpu.wait_indirect_dma semaphore(%run_scoped3A : memref<!tpu.dma_semaphore, #tpu.memory_space<semaphore_mem>>) src(%dma_wait3A_159 : memref<16x256xf32, #tpu.memory_space<vmem>>) dst(%dma_wait3A_162 : memref<10008x256xf32, #tpu.memory_space<hbm>>)
          tpu.yield
        }) : () -> ()
        %add3A_138 = arith.constant 16 : i32
        %add3A_139 = arith.addi %mul3A_107, %add3A_138 : i32
        %get3A_140 = arith.index_cast %add3A_139 : i32 to index
        %get3A_141 = tpu.vector_load %arg10[%get3A_140] {strides = array<i32>} : memref<4080xi32, #tpu.memory_space<vmem>>, vector<16xi32>,
        "tpu.region"() ({
          %run_scoped3A = tpu.sem_alloc : memref<!tpu.dma_semaphore, #tpu.memory_space<semaphore_mem>>
          %dma_start3A_151 = arith.constant 16 : i32
          %dma_start3A_152 = arith.constant 0 : i32
          %dma_start3A_153 = tpu.memref_slice %arg12[%dma_start3A_151, %dma_start3A_152] : memref<64x256xf32, #tpu.memory_space<vmem>> -> memref<16x256xf32, #tpu.memory_space<vmem>>
          %dma_start3A_154 = arith.constant 0 : i32
          %dma_start3A_155 = arith.constant 0 : i32
          %dma_start3A_156 = tpu.memref_slice %arg6[%dma_start3A_154, %dma_start3A_155] : memref<10008x256xf32, #tpu.memory_space<hbm>> -> memref<10008x256xf32, #tpu.memory_space<hbm>>
          tpu.enqueue_indirect_dma source(%dma_start3A_153 : memref<16x256xf32, #tpu.memory_space<vmem>>) target(%dma_start3A_156 : memref<10008x256xf32, #tpu.memory_space<hbm>>) offsets(%get3A_141 : vector<16xi32>) semaphore(%run_scoped3A : memref<!tpu.dma_semaphore, #tpu.memory_space<semaphore_mem>>) {add = true}
          %dma_wait3A_157 = arith.constant 16 : i32
          %dma_wait3A_158 = arith.constant 0 : i32
          %dma_wait3A_159 = tpu.memref_slice %arg12[%dma_wait3A_157, %dma_wait3A_158] : memref<64x256xf32, #tpu.memory_space<vmem>> -> memref<16x256xf32, #tpu.memory_space<vmem>>
          %dma_wait3A_160 = arith.constant 0 : i32
          %dma_wait3A_161 = arith.constant 0 : i32
          %dma_wait3A_162 = tpu.memref_slice %arg6[%dma_wait3A_160, %dma_wait3A_161] : memref<10008x256xf32, #tpu.memory_space<hbm>> -> memref<10008x256xf32, #tpu.memory_space<hbm>>
          tpu.wait_indirect_dma semaphore(%run_scoped3A : memref<!tpu.dma_semaphore, #tpu.memory_space<semaphore_mem>>) src(%dma_wait3A_159 : memref<16x256xf32, #tpu.memory_space<vmem>>) dst(%dma_wait3A_162 : memref<10008x256xf32, #tpu.memory_space<hbm>>)
          tpu.yield
        }) : () -> ()
        %add3A_142 = arith.constant 32 : i32
        %add3A_143 = arith.addi %mul3A_107, %add3A_142 : i32
        %get3A_144 = arith.index_cast %add3A_143 : i32 to index
        %get3A_145 = tpu.vector_load %arg10[%get3A_144] {strides = array<i32>} : memref<4080xi32, #tpu.memory_space<vmem>>, vector<16xi32>,
        "tpu.region"() ({
          %run_scoped3A = tpu.sem_alloc : memref<!tpu.dma_semaphore, #tpu.memory_space<semaphore_mem>>
          %dma_start3A_151 = arith.constant 32 : i32
          %dma_start3A_152 = arith.constant 0 : i32
          %dma_start3A_153 = tpu.memref_slice %arg12[%dma_start3A_151, %dma_start3A_152] : memref<64x256xf32, #tpu.memory_space<vmem>> -> memref<16x256xf32, #tpu.memory_space<vmem>>
          %dma_start3A_154 = arith.constant 0 : i32
          %dma_start3A_155 = arith.constant 0 : i32
          %dma_start3A_156 = tpu.memref_slice %arg6[%dma_start3A_154, %dma_start3A_155] : memref<10008x256xf32, #tpu.memory_space<hbm>> -> memref<10008x256xf32, #tpu.memory_space<hbm>>
          tpu.enqueue_indirect_dma source(%dma_start3A_153 : memref<16x256xf32, #tpu.memory_space<vmem>>) target(%dma_start3A_156 : memref<10008x256xf32, #tpu.memory_space<hbm>>) offsets(%get3A_145 : vector<16xi32>) semaphore(%run_scoped3A : memref<!tpu.dma_semaphore, #tpu.memory_space<semaphore_mem>>) {add = true}
          %dma_wait3A_157 = arith.constant 32 : i32
          %dma_wait3A_158 = arith.constant 0 : i32
          %dma_wait3A_159 = tpu.memref_slice %arg12[%dma_wait3A_157, %dma_wait3A_158] : memref<64x256xf32, #tpu.memory_space<vmem>> -> memref<16x256xf32, #tpu.memory_space<vmem>>
          %dma_wait3A_160 = arith.constant 0 : i32
          %dma_wait3A_161 = arith.constant 0 : i32
          %dma_wait3A_162 = tpu.memref_slice %arg6[%dma_wait3A_160, %dma_wait3A_161] : memref<10008x256xf32, #tpu.memory_space<hbm>> -> memref<10008x256xf32, #tpu.memory_space<hbm>>
          tpu.wait_indirect_dma semaphore(%run_scoped3A : memref<!tpu.dma_semaphore, #tpu.memory_space<semaphore_mem>>) src(%dma_wait3A_159 : memref<16x256xf32, #tpu.memory_space<vmem>>) dst(%dma_wait3A_162 : memref<10008x256xf32, #tpu.memory_space<hbm>>)
          tpu.yield
        }) : () -> ()
        %add3A_146 = arith.constant 48 : i32
        %add3A_147 = arith.addi %mul3A_107, %add3A_146 : i32
        %get3A_148 = arith.index_cast %add3A_147 : i32 to index
        %get3A_149 = tpu.vector_load %arg10[%get3A_148] {strides = array<i32>} : memref<4080xi32, #tpu.memory_space<vmem>>, vector<16xi32>,
        "tpu.region"() ({
          %run_scoped3A = tpu.sem_alloc : memref<!tpu.dma_semaphore, #tpu.memory_space<semaphore_mem>>
          %dma_start3A_151 = arith.constant 48 : i32
          %dma_start3A_152 = arith.constant 0 : i32
          %dma_start3A_153 = tpu.memref_slice %arg12[%dma_start3A_151, %dma_start3A_152] : memref<64x256xf32, #tpu.memory_space<vmem>> -> memref<16x256xf32, #tpu.memory_space<vmem>>
          %dma_start3A_154 = arith.constant 0 : i32
          %dma_start3A_155 = arith.constant 0 : i32
          %dma_start3A_156 = tpu.memref_slice %arg6[%dma_start3A_154, %dma_start3A_155] : memref<10008x256xf32, #tpu.memory_space<hbm>> -> memref<10008x256xf32, #tpu.memory_space<hbm>>
          tpu.enqueue_indirect_dma source(%dma_start3A_153 : memref<16x256xf32, #tpu.memory_space<vmem>>) target(%dma_start3A_156 : memref<10008x256xf32, #tpu.memory_space<hbm>>) offsets(%get3A_149 : vector<16xi32>) semaphore(%run_scoped3A : memref<!tpu.dma_semaphore, #tpu.memory_space<semaphore_mem>>) {add = true}
          %dma_wait3A_157 = arith.constant 48 : i32
          %dma_wait3A_158 = arith.constant 0 : i32
          %dma_wait3A_159 = tpu.memref_slice %arg12[%dma_wait3A_157, %dma_wait3A_158] : memref<64x256xf32, #tpu.memory_space<vmem>> -> memref<16x256xf32, #tpu.memory_space<vmem>>
          %dma_wait3A_160 = arith.constant 0 : i32
          %dma_wait3A_161 = arith.constant 0 : i32
          %dma_wait3A_162 = tpu.memref_slice %arg6[%dma_wait3A_160, %dma_wait3A_161] : memref<10008x256xf32, #tpu.memory_space<hbm>> -> memref<10008x256xf32, #tpu.memory_space<hbm>>
          tpu.wait_indirect_dma semaphore(%run_scoped3A : memref<!tpu.dma_semaphore, #tpu.memory_space<semaphore_mem>>) src(%dma_wait3A_159 : memref<16x256xf32, #tpu.memory_space<vmem>>) dst(%dma_wait3A_162 : memref<10008x256xf32, #tpu.memory_space<hbm>>)
          tpu.yield
        }) : () -> ()
        %while3A_150 = arith.constant 0 : i32
        scf.yield %while3A_150 : i32
      }
      %while3A_101 = arith.constant 1 : i32
      %while3A_102 = scf.for %while3A_104 = %while3A_98 to %while3A_94 step %while3A_101 iter_args(%while3A_105 = %while3A_100) -> (i32)  : i32 {
        %mul3A_106 = arith.constant 64 : i32
        %mul3A_107 = arith.muli %while3A_104, %mul3A_106 : i32
        %add3A_108 = arith.constant 0 : i32
        %add3A_109 = arith.addi %mul3A_107, %add3A_108 : i32
        %get3A = arith.index_cast %add3A_109 : i32 to index
        %get3A_110 = tpu.vector_load %arg9[%get3A] {strides = array<i32>} : memref<4080xi32, #tpu.memory_space<vmem>>, vector<16xi32>,
        %swap3A = arith.constant 0 : index
        %swap3A_111 = tpu.vector_load %arg11[%swap3A] {strides = array<i32>} : memref<64xi32, #tpu.memory_space<vmem>>, vector<16xi32>,
        tpu.vector_store %arg11[%swap3A], %get3A_110 {strides = array<i32>} : memref<64xi32, #tpu.memory_space<vmem>>, vector<16xi32>,
        %add3A_112 = arith.constant 16 : i32
        %add3A_113 = arith.addi %mul3A_107, %add3A_112 : i32
        %get3A_114 = arith.index_cast %add3A_113 : i32 to index
        %get3A_115 = tpu.vector_load %arg9[%get3A_114] {strides = array<i32>} : memref<4080xi32, #tpu.memory_space<vmem>>, vector<16xi32>,
        %swap3A_116 = arith.constant 16 : index
        %swap3A_117 = tpu.vector_load %arg11[%swap3A_116] {strides = array<i32>} : memref<64xi32, #tpu.memory_space<vmem>>, vector<16xi32>,
        tpu.vector_store %arg11[%swap3A_116], %get3A_115 {strides = array<i32>} : memref<64xi32, #tpu.memory_space<vmem>>, vector<16xi32>,
        %add3A_118 = arith.constant 32 : i32
        %add3A_119 = arith.addi %mul3A_107, %add3A_118 : i32
        %get3A_120 = arith.index_cast %add3A_119 : i32 to index
        %get3A_121 = tpu.vector_load %arg9[%get3A_120] {strides = array<i32>} : memref<4080xi32, #tpu.memory_space<vmem>>, vector<16xi32>,
        %swap3A_122 = arith.constant 32 : index
        %swap3A_123 = tpu.vector_load %arg11[%swap3A_122] {strides = array<i32>} : memref<64xi32, #tpu.memory_space<vmem>>, vector<16xi32>,
        tpu.vector_store %arg11[%swap3A_122], %get3A_121 {strides = array<i32>} : memref<64xi32, #tpu.memory_space<vmem>>, vector<16xi32>,
        %add3A_124 = arith.constant 48 : i32
        %add3A_125 = arith.addi %mul3A_107, %add3A_124 : i32
        %get3A_126 = arith.index_cast %add3A_125 : i32 to index
        %get3A_127 = tpu.vector_load %arg9[%get3A_126] {strides = array<i32>} : memref<4080xi32, #tpu.memory_space<vmem>>, vector<16xi32>,
        %swap3A_128 = arith.constant 48 : index
        %swap3A_129 = tpu.vector_load %arg11[%swap3A_128] {strides = array<i32>} : memref<64xi32, #tpu.memory_space<vmem>>, vector<16xi32>,
        tpu.vector_store %arg11[%swap3A_128], %get3A_127 {strides = array<i32>} : memref<64xi32, #tpu.memory_space<vmem>>, vector<16xi32>,
        %dma_start3A = arith.constant 0 : i32
        %dma_start3A_130 = arith.constant 0 : i32
        %dma_start3A_131 = tpu.memref_slice %arg2[%dma_start3A, %dma_start3A_130] : memref<20000x256xf32, #tpu.memory_space<hbm>> -> memref<20000x256xf32, #tpu.memory_space<hbm>>
        tpu.enqueue_indirect_dma source(%dma_start3A_131 : memref<20000x256xf32, #tpu.memory_space<hbm>>) target(%arg12 : memref<64x256xf32, #tpu.memory_space<vmem>>) offsets(%arg11 : memref<64xi32, #tpu.memory_space<vmem>>) semaphore(%arg14 : memref<!tpu.dma_semaphore, #tpu.memory_space<semaphore_mem>>)
        %dma_wait3A = arith.constant 0 : i32
        %dma_wait3A_132 = arith.constant 0 : i32
        %dma_wait3A_133 = tpu.memref_slice %arg2[%dma_wait3A, %dma_wait3A_132] : memref<20000x256xf32, #tpu.memory_space<hbm>> -> memref<20000x256xf32, #tpu.memory_space<hbm>>
        tpu.wait_indirect_dma semaphore(%arg14 : memref<!tpu.dma_semaphore, #tpu.memory_space<semaphore_mem>>) src(%dma_wait3A_133 : memref<20000x256xf32, #tpu.memory_space<hbm>>) dst(%arg12 : memref<64x256xf32, #tpu.memory_space<vmem>>)
        %add3A_134 = arith.constant 0 : i32
        %add3A_135 = arith.addi %mul3A_107, %add3A_134 : i32
        %get3A_136 = arith.index_cast %add3A_135 : i32 to index
        %get3A_137 = tpu.vector_load %arg10[%get3A_136] {strides = array<i32>} : memref<4080xi32, #tpu.memory_space<vmem>>, vector<16xi32>,
        "tpu.region"() ({
          %run_scoped3A = tpu.sem_alloc : memref<!tpu.dma_semaphore, #tpu.memory_space<semaphore_mem>>
          %dma_start3A_151 = arith.constant 0 : i32
          %dma_start3A_152 = arith.constant 0 : i32
          %dma_start3A_153 = tpu.memref_slice %arg12[%dma_start3A_151, %dma_start3A_152] : memref<64x256xf32, #tpu.memory_space<vmem>> -> memref<16x256xf32, #tpu.memory_space<vmem>>
          %dma_start3A_154 = arith.constant 0 : i32
          %dma_start3A_155 = arith.constant 0 : i32
          %dma_start3A_156 = tpu.memref_slice %arg6[%dma_start3A_154, %dma_start3A_155] : memref<10008x256xf32, #tpu.memory_space<hbm>> -> memref<10008x256xf32, #tpu.memory_space<hbm>>
          tpu.enqueue_indirect_dma source(%dma_start3A_153 : memref<16x256xf32, #tpu.memory_space<vmem>>) target(%dma_start3A_156 : memref<10008x256xf32, #tpu.memory_space<hbm>>) offsets(%get3A_137 : vector<16xi32>) semaphore(%run_scoped3A : memref<!tpu.dma_semaphore, #tpu.memory_space<semaphore_mem>>) {add = true}
          %dma_wait3A_157 = arith.constant 0 : i32
          %dma_wait3A_158 = arith.constant 0 : i32
          %dma_wait3A_159 = tpu.memref_slice %arg12[%dma_wait3A_157, %dma_wait3A_158] : memref<64x256xf32, #tpu.memory_space<vmem>> -> memref<16x256xf32, #tpu.memory_space<vmem>>
          %dma_wait3A_160 = arith.constant 0 : i32
          %dma_wait3A_161 = arith.constant 0 : i32
          %dma_wait3A_162 = tpu.memref_slice %arg6[%dma_wait3A_160, %dma_wait3A_161] : memref<10008x256xf32, #tpu.memory_space<hbm>> -> memref<10008x256xf32, #tpu.memory_space<hbm>>
          tpu.wait_indirect_dma semaphore(%run_scoped3A : memref<!tpu.dma_semaphore, #tpu.memory_space<semaphore_mem>>) src(%dma_wait3A_159 : memref<16x256xf32, #tpu.memory_space<vmem>>) dst(%dma_wait3A_162 : memref<10008x256xf32, #tpu.memory_space<hbm>>)
          tpu.yield
        }) : () -> ()
        %add3A_138 = arith.constant 16 : i32
        %add3A_139 = arith.addi %mul3A_107, %add3A_138 : i32
        %get3A_140 = arith.index_cast %add3A_139 : i32 to index
        %get3A_141 = tpu.vector_load %arg10[%get3A_140] {strides = array<i32>} : memref<4080xi32, #tpu.memory_space<vmem>>, vector<16xi32>,
        "tpu.region"() ({
          %run_scoped3A = tpu.sem_alloc : memref<!tpu.dma_semaphore, #tpu.memory_space<semaphore_mem>>
          %dma_start3A_151 = arith.constant 16 : i32
          %dma_start3A_152 = arith.constant 0 : i32
          %dma_start3A_153 = tpu.memref_slice %arg12[%dma_start3A_151, %dma_start3A_152] : memref<64x256xf32, #tpu.memory_space<vmem>> -> memref<16x256xf32, #tpu.memory_space<vmem>>
          %dma_start3A_154 = arith.constant 0 : i32
          %dma_start3A_155 = arith.constant 0 : i32
          %dma_start3A_156 = tpu.memref_slice %arg6[%dma_start3A_154, %dma_start3A_155] : memref<10008x256xf32, #tpu.memory_space<hbm>> -> memref<10008x256xf32, #tpu.memory_space<hbm>>
          tpu.enqueue_indirect_dma source(%dma_start3A_153 : memref<16x256xf32, #tpu.memory_space<vmem>>) target(%dma_start3A_156 : memref<10008x256xf32, #tpu.memory_space<hbm>>) offsets(%get3A_141 : vector<16xi32>) semaphore(%run_scoped3A : memref<!tpu.dma_semaphore, #tpu.memory_space<semaphore_mem>>) {add = true}
          %dma_wait3A_157 = arith.constant 16 : i32
          %dma_wait3A_158 = arith.constant 0 : i32
          %dma_wait3A_159 = tpu.memref_slice %arg12[%dma_wait3A_157, %dma_wait3A_158] : memref<64x256xf32, #tpu.memory_space<vmem>> -> memref<16x256xf32, #tpu.memory_space<vmem>>
          %dma_wait3A_160 = arith.constant 0 : i32
          %dma_wait3A_161 = arith.constant 0 : i32
          %dma_wait3A_162 = tpu.memref_slice %arg6[%dma_wait3A_160, %dma_wait3A_161] : memref<10008x256xf32, #tpu.memory_space<hbm>> -> memref<10008x256xf32, #tpu.memory_space<hbm>>
          tpu.wait_indirect_dma semaphore(%run_scoped3A : memref<!tpu.dma_semaphore, #tpu.memory_space<semaphore_mem>>) src(%dma_wait3A_159 : memref<16x256xf32, #tpu.memory_space<vmem>>) dst(%dma_wait3A_162 : memref<10008x256xf32, #tpu.memory_space<hbm>>)
          tpu.yield
        }) : () -> ()
        %add3A_142 = arith.constant 32 : i32
        %add3A_143 = arith.addi %mul3A_107, %add3A_142 : i32
        %get3A_144 = arith.index_cast %add3A_143 : i32 to index
        %get3A_145 = tpu.vector_load %arg10[%get3A_144] {strides = array<i32>} : memref<4080xi32, #tpu.memory_space<vmem>>, vector<16xi32>,
        "tpu.region"() ({
          %run_scoped3A = tpu.sem_alloc : memref<!tpu.dma_semaphore, #tpu.memory_space<semaphore_mem>>
          %dma_start3A_151 = arith.constant 32 : i32
          %dma_start3A_152 = arith.constant 0 : i32
          %dma_start3A_153 = tpu.memref_slice %arg12[%dma_start3A_151, %dma_start3A_152] : memref<64x256xf32, #tpu.memory_space<vmem>> -> memref<16x256xf32, #tpu.memory_space<vmem>>
          %dma_start3A_154 = arith.constant 0 : i32
          %dma_start3A_155 = arith.constant 0 : i32
          %dma_start3A_156 = tpu.memref_slice %arg6[%dma_start3A_154, %dma_start3A_155] : memref<10008x256xf32, #tpu.memory_space<hbm>> -> memref<10008x256xf32, #tpu.memory_space<hbm>>
          tpu.enqueue_indirect_dma source(%dma_start3A_153 : memref<16x256xf32, #tpu.memory_space<vmem>>) target(%dma_start3A_156 : memref<10008x256xf32, #tpu.memory_space<hbm>>) offsets(%get3A_145 : vector<16xi32>) semaphore(%run_scoped3A : memref<!tpu.dma_semaphore, #tpu.memory_space<semaphore_mem>>) {add = true}
          %dma_wait3A_157 = arith.constant 32 : i32
          %dma_wait3A_158 = arith.constant 0 : i32
          %dma_wait3A_159 = tpu.memref_slice %arg12[%dma_wait3A_157, %dma_wait3A_158] : memref<64x256xf32, #tpu.memory_space<vmem>> -> memref<16x256xf32, #tpu.memory_space<vmem>>
          %dma_wait3A_160 = arith.constant 0 : i32
          %dma_wait3A_161 = arith.constant 0 : i32
          %dma_wait3A_162 = tpu.memref_slice %arg6[%dma_wait3A_160, %dma_wait3A_161] : memref<10008x256xf32, #tpu.memory_space<hbm>> -> memref<10008x256xf32, #tpu.memory_space<hbm>>
          tpu.wait_indirect_dma semaphore(%run_scoped3A : memref<!tpu.dma_semaphore, #tpu.memory_space<semaphore_mem>>) src(%dma_wait3A_159 : memref<16x256xf32, #tpu.memory_space<vmem>>) dst(%dma_wait3A_162 : memref<10008x256xf32, #tpu.memory_space<hbm>>)
          tpu.yield
        }) : () -> ()
        %add3A_146 = arith.constant 48 : i32
        %add3A_147 = arith.addi %mul3A_107, %add3A_146 : i32
        %get3A_148 = arith.index_cast %add3A_147 : i32 to index
        %get3A_149 = tpu.vector_load %arg10[%get3A_148] {strides = array<i32>} : memref<4080xi32, #tpu.memory_space<vmem>>, vector<16xi32>,
        "tpu.region"() ({
          %run_scoped3A = tpu.sem_alloc : memref<!tpu.dma_semaphore, #tpu.memory_space<semaphore_mem>>
          %dma_start3A_151 = arith.constant 48 : i32
          %dma_start3A_152 = arith.constant 0 : i32
          %dma_start3A_153 = tpu.memref_slice %arg12[%dma_start3A_151, %dma_start3A_152] : memref<64x256xf32, #tpu.memory_space<vmem>> -> memref<16x256xf32, #tpu.memory_space<vmem>>
          %dma_start3A_154 = arith.constant 0 : i32
          %dma_start3A_155 = arith.constant 0 : i32
          %dma_start3A_156 = tpu.memref_slice %arg6[%dma_start3A_154, %dma_start3A_155] : memref<10008x256xf32, #tpu.memory_space<hbm>> -> memref<10008x256xf32, #tpu.memory_space<hbm>>
          tpu.enqueue_indirect_dma source(%dma_start3A_153 : memref<16x256xf32, #tpu.memory_space<vmem>>) target(%dma_start3A_156 : memref<10008x256xf32, #tpu.memory_space<hbm>>) offsets(%get3A_149 : vector<16xi32>) semaphore(%run_scoped3A : memref<!tpu.dma_semaphore, #tpu.memory_space<semaphore_mem>>) {add = true}
          %dma_wait3A_157 = arith.constant 48 : i32
          %dma_wait3A_158 = arith.constant 0 : i32
          %dma_wait3A_159 = tpu.memref_slice %arg12[%dma_wait3A_157, %dma_wait3A_158] : memref<64x256xf32, #tpu.memory_space<vmem>> -> memref<16x256xf32, #tpu.memory_space<vmem>>
          %dma_wait3A_160 = arith.constant 0 : i32
          %dma_wait3A_161 = arith.constant 0 : i32
          %dma_wait3A_162 = tpu.memref_slice %arg6[%dma_wait3A_160, %dma_wait3A_161] : memref<10008x256xf32, #tpu.memory_space<hbm>> -> memref<10008x256xf32, #tpu.memory_space<hbm>>
          tpu.wait_indirect_dma semaphore(%run_scoped3A : memref<!tpu.dma_semaphore, #tpu.memory_space<semaphore_mem>>) src(%dma_wait3A_159 : memref<16x256xf32, #tpu.memory_space<vmem>>) dst(%dma_wait3A_162 : memref<10008x256xf32, #tpu.memory_space<hbm>>)
          tpu.yield
        }) : () -> ()
        %while3A_150 = arith.constant 0 : i32
        scf.yield %while3A_150 : i32
      }
      %scan3A_103 = arith.constant 0 : i32
      scf.yield %scan3A_103 : i32
    }
    %scan3A_20 = arith.constant 5 : i32
    return
  }
}

module attributes {stable_mosaic.version = 14 : i64} {
  func.func @_div_body(%arg0: i32, %arg1: memref<1000x384xf32, #tpu.memory_space<vmem>>, %arg2: memref<1000x256xf32, #tpu.memory_space<vmem>>) attributes {dimension_semantics = [#tpu.dimension_semantics<arbitrary>], iteration_bounds = array<i64: 20>, scalar_prefetch = 0 : i64, scratch_operands = 0 : i64, tpu.core_type = #tpu.core_type<tc>, window_params = [{transform_indices = @transform_0, window_bounds = array<i64: 1000, 384>}, {transform_indices = @transform_1, window_bounds = array<i64: 1000, 256>}]} {
    %get3A = arith.constant 0 : index
    %get3A_0 = arith.constant 256 : index
    %get3A_1 = vector.load %arg1[%get3A, %get3A_0] : memref<1000x384xf32, #tpu.memory_space<vmem>>, vector<1000x1xf32>
    %max3A = arith.constant 1.000000e+00 : f32
    %max3A_2 = vector.broadcast %max3A : f32 to vector<1000x1xf32>
    %max3A_3 = arith.maximumf %get3A_1, %max3A_2 : vector<1000x1xf32>
    %get3A_4 = arith.constant 0 : index
    %get3A_5 = arith.constant 0 : index
    %get3A_6 = vector.load %arg1[%get3A_4, %get3A_5] : memref<1000x384xf32, #tpu.memory_space<vmem>>, vector<1000x256xf32>
    %div3A = arith.constant 1.000000e+00 : f32
    %div3A_7 = vector.broadcast %div3A : f32 to vector<1000x1xf32>
    %div3A_8 = arith.divf %div3A_7, %max3A_3 : vector<1000x1xf32>
    %mul3A = vector.broadcast %div3A_8 : vector<1000x1xf32> to vector<1000x256xf32>
    %mul3A_9 = arith.mulf %get3A_6, %mul3A : vector<1000x256xf32>
    %swap3A = arith.constant 0 : index
    %swap3A_10 = arith.constant 0 : index
    %swap3A_11 = vector.load %arg2[%swap3A, %swap3A_10] : memref<1000x256xf32, #tpu.memory_space<vmem>>, vector<1000x256xf32>
    tpu.vector_store %arg2[%swap3A, %swap3A_10], %mul3A_9 {strides = array<i32>} : memref<1000x256xf32, #tpu.memory_space<vmem>>, vector<1000x256xf32>,
    return
  }
  func.func @transform_0(%arg0: i32) -> (i32, i32) {
    %c0_i32 = arith.constant 0 : i32
    %c0_i32_0 = arith.constant 0 : i32
    return %arg0, %c0_i32 : i32, i32
  }
  func.func @transform_1(%arg0: i32) -> (i32, i32) {
    %c0_i32 = arith.constant 0 : i32
    %c0_i32_0 = arith.constant 0 : i32
    return %arg0, %c0_i32 : i32, i32
  }
}

module attributes {stable_mosaic.version = 14 : i64} {
  func.func @_mm_body(%arg0: i32, %arg1: memref<1000x128xf32, #tpu.memory_space<vmem>>, %arg2: memref<256x128xf32, #tpu.memory_space<vmem>>, %arg3: memref<1000x384xf32, #tpu.memory_space<vmem>>) attributes {dimension_semantics = [#tpu.dimension_semantics<arbitrary>], iteration_bounds = array<i64: 10>, scalar_prefetch = 0 : i64, scratch_operands = 0 : i64, tpu.core_type = #tpu.core_type<tc>, window_params = [{transform_indices = @transform_0, window_bounds = array<i64: 1000, 128>}, {pipeline_mode = #tpu.pipeline_mode<synchronous>, transform_indices = @transform_1, window_bounds = array<i64: 256, 128>}, {transform_indices = @transform_2, window_bounds = array<i64: 1000, 384>}]} {
    %get3A = arith.constant 0 : index
    %get3A_0 = arith.constant 0 : index
    %get3A_1 = vector.load %arg1[%get3A, %get3A_0] : memref<1000x128xf32, #tpu.memory_space<vmem>>, vector<1000x128xf32>
    %get3A_2 = arith.constant 0 : index
    %get3A_3 = arith.constant 0 : index
    %get3A_4 = vector.load %arg2[%get3A_2, %get3A_3] : memref<256x128xf32, #tpu.memory_space<vmem>>, vector<256x128xf32>
    %dot_general3A = arith.constant dense<0.000000e+00> : vector<1000x256xf32>
    %dot_general3A_5 = tpu.matmul %get3A_1, %get3A_4, %dot_general3A {dimension_numbers = #tpu.dot_dimension_numbers<[1], [1], [0], [0], [0, 0, 1, 0], [], []>, transpose_lhs_hint = false} : vector<1000x128xf32>, vector<256x128xf32>, vector<1000x256xf32> -> vector<1000x256xf32>
    %swap3A = arith.constant 0 : index
    %swap3A_6 = arith.constant 0 : index
    %swap3A_7 = vector.load %arg3[%swap3A, %swap3A_6] : memref<1000x384xf32, #tpu.memory_space<vmem>>, vector<1000x256xf32>
    tpu.vector_store %arg3[%swap3A, %swap3A_6], %dot_general3A_5 {strides = array<i32>} : memref<1000x384xf32, #tpu.memory_space<vmem>>, vector<1000x256xf32>,
    %broadcast_in_dim3A = arith.constant 1.000000e+00 : f32
    %broadcast_in_dim3A_8 = vector.broadcast %broadcast_in_dim3A : f32 to vector<1000x128xf32>
    %swap3A_9 = arith.constant 0 : index
    %swap3A_10 = arith.constant 256 : index
    %swap3A_11 = vector.load %arg3[%swap3A_9, %swap3A_10] : memref<1000x384xf32, #tpu.memory_space<vmem>>, vector<1000x128xf32>
    tpu.vector_store %arg3[%swap3A_9, %swap3A_10], %broadcast_in_dim3A_8 {strides = array<i32>} : memref<1000x384xf32, #tpu.memory_space<vmem>>, vector<1000x128xf32>,
    return
  }
  func.func @transform_0(%arg0: i32) -> (i32, i32) {
    %c0_i32 = arith.constant 0 : i32
    %c0_i32_0 = arith.constant 0 : i32
    return %arg0, %c0_i32 : i32, i32
  }
  func.func @transform_1(%arg0: i32) -> (i32, i32) {
    %c0_i32 = arith.constant 0 : i32
    %c0_i32_0 = arith.constant 0 : i32
    %c0_i32_1 = arith.constant 0 : i32
    return %c0_i32, %c0_i32_0 : i32, i32
  }
  func.func @transform_2(%arg0: i32) -> (i32, i32) {
    %c0_i32 = arith.constant 0 : i32
    %c0_i32_0 = arith.constant 0 : i32
    return %arg0, %c0_i32 : i32, i32
  }
}

module attributes {stable_mosaic.version = 14 : i64} {
  func.func @_norm_body(%arg0: i32, %arg1: memref<1000x256xf32, #tpu.memory_space<vmem>>, %arg2: memref<1000x256xf32, #tpu.memory_space<vmem>>, %arg3: memref<1000x256xf32, #tpu.memory_space<vmem>>) attributes {dimension_semantics = [#tpu.dimension_semantics<arbitrary>], iteration_bounds = array<i64: 10>, scalar_prefetch = 0 : i64, scratch_operands = 0 : i64, tpu.core_type = #tpu.core_type<tc>, window_params = [{transform_indices = @transform_0, window_bounds = array<i64: 1000, 256>}, {transform_indices = @transform_1, window_bounds = array<i64: 1000, 256>}, {transform_indices = @transform_2, window_bounds = array<i64: 1000, 256>}]} {
    %get3A = arith.constant 0 : index
    %get3A_0 = arith.constant 0 : index
    %get3A_1 = vector.load %arg1[%get3A, %get3A_0] : memref<1000x256xf32, #tpu.memory_space<vmem>>, vector<1000x256xf32>
    %get3A_2 = arith.constant 0 : index
    %get3A_3 = arith.constant 0 : index
    %get3A_4 = vector.load %arg2[%get3A_2, %get3A_3] : memref<1000x256xf32, #tpu.memory_space<vmem>>, vector<1000x256xf32>
    %add3A = arith.addf %get3A_1, %get3A_4 : vector<1000x256xf32>
    %mul3A = arith.mulf %add3A, %add3A : vector<1000x256xf32>
    %reduce_sum3A = arith.constant dense<0.000000e+00> : vector<1000xf32>
    %reduce_sum3A_5 = vector.multi_reduction <add>, %mul3A, %reduce_sum3A [1] : vector<1000x256xf32> to vector<1000xf32>
    %broadcast_in_dim3A = vector.shape_cast %reduce_sum3A_5 : vector<1000xf32> to vector<1000x1xf32>
    %sqrt3A = math.sqrt %broadcast_in_dim3A : vector<1000x1xf32>
    %gt3A = arith.constant 0.000000e+00 : f32
    %gt3A_6 = vector.broadcast %gt3A : f32 to vector<1000x1xf32>
    %gt3A_7 = arith.cmpf ogt, %sqrt3A, %gt3A_6 : vector<1000x1xf32>
    %div3A = arith.constant 1.000000e+00 : f32
    %div3A_8 = vector.broadcast %div3A : f32 to vector<1000x1xf32>
    %div3A_9 = arith.divf %div3A_8, %sqrt3A : vector<1000x1xf32>
    %jit3A = arith.constant 0.000000e+00 : f32
    %broadcast_in_dim3A_10 = vector.broadcast %jit3A : f32 to vector<1000x1xf32>
    %select_n3A = arith.select %gt3A_7, %div3A_9, %broadcast_in_dim3A_10 : vector<1000x1xi1>, vector<1000x1xf32>
    %mul3A_11 = vector.broadcast %select_n3A : vector<1000x1xf32> to vector<1000x256xf32>
    %mul3A_12 = arith.mulf %add3A, %mul3A_11 : vector<1000x256xf32>
    %swap3A = arith.constant 0 : index
    %swap3A_13 = arith.constant 0 : index
    %swap3A_14 = vector.load %arg3[%swap3A, %swap3A_13] : memref<1000x256xf32, #tpu.memory_space<vmem>>, vector<1000x256xf32>
    tpu.vector_store %arg3[%swap3A, %swap3A_13], %mul3A_12 {strides = array<i32>} : memref<1000x256xf32, #tpu.memory_space<vmem>>, vector<1000x256xf32>,
    return
  }
  func.func @transform_0(%arg0: i32) -> (i32, i32) {
    %c0_i32 = arith.constant 0 : i32
    %c0_i32_0 = arith.constant 0 : i32
    return %arg0, %c0_i32 : i32, i32
  }
  func.func @transform_1(%arg0: i32) -> (i32, i32) {
    %c0_i32 = arith.constant 0 : i32
    %c0_i32_0 = arith.constant 0 : i32
    return %arg0, %c0_i32 : i32, i32
  }
  func.func @transform_2(%arg0: i32) -> (i32, i32) {
    %c0_i32 = arith.constant 0 : i32
    %c0_i32_0 = arith.constant 0 : i32
    return %arg0, %c0_i32 : i32, i32
  }
}

</mosaic_0001>

<sc_bundles>
// kernel: kernel.10.cloned.1.call-start
scs
__scs_entry_jumppad:
0x0: {  	(pc) =	sbr.rel $0x88, $3  }
0x1: {  	(tag) =	ssettag $0x0;
	lr =	simm.s32 $0x1  }
0x2: {  	[smem:$0x3F9D] =	sst lr;
	_ =	strace $0xD0000000  }
0x3: {  	_ = 	snop  }
0x4: {  	_ = 	snop  }
0x5: {  	_ = 	snop  }
0x6: {  	_ = 	snop  }
0x7: {  	_ = 	snop  }
__scs_overlays_trampoline_lowered:
0x8: {  	[smem:$0x3FAC] =	sst s0  }
0x9: {  	[smem:$0x3FAD] =	sst s1  }
0xa: {  	[smem:$0x3FAE] =	sst s2  }
0xb: {  	[smem:$0x3FAF] =	sst s3  }
0xc: {  	[smem:$0x3FB0] =	sst s4  }
0xd: {  	[smem:$0x3FB1] =	sst s5  }
0xe: {  	[smem:$0x3FB2] =	sst s6  }
0xf: {  	[smem:$0x3FB3] =	sst s7  }
0x10: {  	[smem:$0x3FB4] =	sst s8  }
0x11: {  	[smem:$0x3FB5] =	sst s9;
	s0 =	simm.s32 @!p0 $0x0  }
0x12: {  	s1 =	sld [smem:$0x3F9B];
	s0 =	simm.s32 @p0 $0x1  }
0x13: {  	[smem:$0x3FB6] =	sst s0;
	s0 =	simm.s32 @!p1 $0x0  }
0x14: {  	s2 =	sld [smem:$0x3F9A];
	s0 =	simm.s32 @p1 $0x1  }
0x15: {  	[smem:$0x3FB7] =	sst s0;
	s0 =	simm.s32 @!p2 $0x0  }
0x16: {  	s3 =	sld [smem:$0x3FDB];
	s0 =	simm.s32 @p2 $0x1  }
0x17: {  	s4 =	simm.s32 $0x1BF5;
	[smem:$0x3FB9] =	sst s0  }
0x18: {  	s0 =	sld [smem:$0x3F9C];
	_ =	swait.ge [sflag:s4], $0x0  }
0x19: {  	s7 =	sld [smem:$0x3F9D]  }
0x1a: {  	s8 =	sadd.s32 $0xFFFFE003, lr  }
0x1b: {  	s9 =	sadd.s32 $0xFFFFFEF7, lr;
	s5 =	simm.s32 $0xFFFFFFFF;
	p2 =	slt.u32 s8, $0xFFFFF086  }
0x1c: {  	p1 =	slt.u32 s9, $0xF7A;
	s5 =	simm.s32 @!p2 $0x0  }
0x1d: {  	s5 =	simm.s32 @p1 $0x1;
	p0 =	seq.s32 s7, s2  }
0x1e: {  	s7 =	smul.u32 @!p0 $0xF7A, s2;
	p2 =	seq.s32 @!p0 s5, $0x0  }
0x1f: {  	s9 =	smul.u32 $0xF7A, s1;
	s8 =	simm.s32 @!p0 $0x1BF5;
	p2 =	por !p2, p0  }
0x20: {  	[sflag:s8] =	ssyncset.s32 @!p0 $0xFFFFF086;
	s6 =	sadd.s32 @!p0 s3, s7;
	s7 =	simm.s32 @!p0 $0x108  }
0x21: {  	s3 =	sadd.s32 s3, s9;
	s6 =	sadd.s32 @!p0 $0x88, s6;
	s7 =	simm.s32 @p2 $0x1082  }
0x22: {  	[simem:s7], [sflag:s8] =	dma.local @!p0 [hbm:s6], $0xF7A  }
0x23: {  	s9 =	sor.u32 $0xD0000000, s2;
	s6 =	simm.s32 $0x108;
	_ =	swait.ge @!p0 [sflag:s8], $0x0  }
0x24: {  	s3 =	sadd.s32 $0x88, s3;
	s6 =	simm.s32 @!p1 $0x1082;
	[sflag:s4] =	ssyncset.s32 $0xFFFFF086  }
0x25: {  	[simem:s6], [sflag:s4] =	dma.local [hbm:s3], $0xF7A  }
0x26: {  	[smem:$0x3F9D] =	sst s1;
	(tag) =	ssettag s2;
	_ =	strace s9  }
0x27: {  	s1 =	sld [smem:$0x3FAD]  }
0x28: {  	s2 =	sld [smem:$0x3FAE]  }
0x29: {  	s4 =	sld [smem:$0x3FB0]  }
0x2a: {  	p0 =	seq.s32 s5, $0x0;
	s5 =	sld [smem:$0x3FB1]  }
0x2b: {  	s6 =	sld [smem:$0x3FB2]  }
0x2c: {  	s7 =	sld [smem:$0x3FB3]  }
0x2d: {  	s3 =	simm.s32 $0x108;
	s8 =	sld [smem:$0x3FB4]  }
0x2e: {  	s3 =	simm.s32 @!p0 $0x1082;
	s9 =	sld [smem:$0x3FB5]  }
0x2f: {  	lr =	sadd.s32 s0, s3;
	s0 =	sld [smem:$0x3FAC]  }
0x30: {  	s3 =	sld [smem:$0x3FAF]  }
0x31: {  	[smem:$0x3FB8] =	sst s10  }
0x32: {  	s10 =	sld [smem:$0x3FB6];
	_ =	sdelay $0x3  }
0x33: {  	p0 =	seq.s32 s10, $0x1;
	s10 =	sld [smem:$0x3FB8];
	_ =	sdelay $0x3  }
0x34: {  	[smem:$0x3FB8] =	sst s10  }
0x35: {  	s10 =	sld [smem:$0x3FB7];
	_ =	sdelay $0x3  }
0x36: {  	p1 =	seq.s32 s10, $0x1;
	s10 =	sld [smem:$0x3FB8];
	_ =	sdelay $0x3  }
0x37: {  	[smem:$0x3FB8] =	sst s10  }
0x38: {  	s10 =	sld [smem:$0x3FB9]  }
0x39: {  	_ = 	snop;
	(pc) =	sbr.ind lr, $3  }
0x3a: {  	_ = 	snop  }
0x3b: {  	_ = 	snop  }
0x3c: {  	p2 =	seq.s32 s10, $0x1;
	s10 =	sld [smem:$0x3FB8]  }
0x3d: {  	_ =	shalt  }
0x3e: {  	_ =	shalt  }
0x3f: {  	_ =	shalt  }
0x40: {  	_ =	shalt  }
0x41: {  	_ =	shalt  }
0x42: {  	_ =	shalt  }
0x43: {  	_ =	shalt  }
0x44: {  	_ =	shalt  }
0x45: {  	_ =	shalt  }
0x46: {  	_ =	shalt  }
0x47: {  	_ =	shalt  }
0x48: {  	_ =	shalt  }
0x49: {  	_ =	shalt  }
0x4a: {  	_ =	shalt  }
0x4b: {  	_ =	shalt  }
0x4c: {  	_ =	shalt  }
0x4d: {  	_ =	shalt  }
0x4e: {  	_ =	shalt  }
0x4f: {  	_ =	shalt  }
0x50: {  	_ =	shalt  }
0x51: {  	_ =	shalt  }
0x52: {  	_ =	shalt  }
0x53: {  	_ =	shalt  }
0x54: {  	_ =	shalt  }
0x55: {  	_ =	shalt  }
0x56: {  	_ =	shalt  }
0x57: {  	_ =	shalt  }
0x58: {  	_ =	shalt  }
0x59: {  	_ =	shalt  }
0x5a: {  	_ =	shalt  }
0x5b: {  	_ =	shalt  }
0x5c: {  	_ =	shalt  }
0x5d: {  	_ =	shalt  }
0x5e: {  	_ =	shalt  }
0x5f: {  	_ =	shalt  }
0x60: {  	_ =	shalt  }
0x61: {  	_ =	shalt  }
0x62: {  	_ =	shalt  }
0x63: {  	_ =	shalt  }
0x64: {  	_ =	shalt  }
0x65: {  	_ =	shalt  }
0x66: {  	_ =	shalt  }
0x67: {  	_ =	shalt  }
0x68: {  	_ =	shalt  }
0x69: {  	_ =	shalt  }
0x6a: {  	_ =	shalt  }
0x6b: {  	_ =	shalt  }
0x6c: {  	_ =	shalt  }
0x6d: {  	_ =	shalt  }
0x6e: {  	_ =	shalt  }
0x6f: {  	_ =	shalt  }
0x70: {  	_ =	shalt  }
0x71: {  	_ =	shalt  }
0x72: {  	_ =	shalt  }
0x73: {  	_ =	shalt  }
0x74: {  	_ =	shalt  }
0x75: {  	_ =	shalt  }
0x76: {  	_ =	shalt  }
0x77: {  	_ =	shalt  }
0x78: {  	_ =	shalt  }
0x79: {  	_ =	shalt  }
0x7a: {  	_ =	shalt  }
0x7b: {  	_ =	shalt  }
0x7c: {  	_ =	shalt  }
0x7d: {  	_ =	shalt  }
0x7e: {  	_ =	shalt  }
0x7f: {  	_ =	shalt  }
0x80: {  	_ =	shalt  }
0x81: {  	_ =	shalt  }
0x82: {  	_ =	shalt  }
0x83: {  	_ =	shalt  }
0x84: {  	_ =	shalt  }
0x85: {  	_ =	shalt  }
0x86: {  	_ =	shalt  }
0x87: {  	_ =	shalt  }
.Lfunc_end0:
.L_simem_size_0:
called_computation.1_lowered:
.L_overlay_start_0:
0x88: {  	s2 =	sld [smem:$0x3FD9]  }
0x89: {  	s3 =	sld [smem:$0x3FFE];
	_ =	sdelay $0x1  }
0x8a: {  	s1 =	srdreg.scid  }
0x8b: {  	s0 =	sand.u32 $0x1, s1  }
0x8c: {  	s17 =	sshll.u32 s0, $0xA;
	s2 =	sadd.s32 s3, s2  }
0x8d: {  	s2 =	sadd.s32 s2, s17  }
0x8e: {  	[smem:$0x3FC4] =	sst s2  }
0x8f: {  	_ = 	snop  }
0x90: {  	s2 =	sld [smem:$0x3FC8]  }
0x91: {  	s18 =	sld [smem:$0x3FC7]  }
0x92: {  	s4 =	sld [smem:$0x3FD0];
	(tm) =	ssettm $0x1  }
0x93: {  	s5 =	sld [smem:$0x3FFB];
	_ =	sdelay $0x3  }
0x94: {  	_ =	strace s5  }
0x95: {  	s5 =	sld [smem:$0x3FFC];
	_ =	sdelay $0x3  }
0x96: {  	_ =	strace s5  }
0x97: {  	s5 =	sld [smem:$0x3FFD];
	_ =	sdelay $0x3  }
0x98: {  	_ =	strace s5  }
0x99: {  	_ =	strace $0x8FFFFFFF  }
0x9a: {  	s19 =	sld [smem:$0x3FDB];
	_ =	sdelay $0x1  }
0x9b: {  	s6 =	simm.s32 $_scs_section_size  }
0x9c: {  	s7 =	simm.s32 $_size__tile_overlayer_lowered;
	s8 =	simm.s32 $_tile_overlayer_lowered  }
0x9d: {  	s22 =	simm.s32 $0x1BFF;
	s21 =	sshll.u32 s8, $0x1;
	s5 =	sadd.s32 s6, s19  }
0x9e: {  	s9 =	simm.s32 $0x0;
	s20 =	sshll.u32 s7, $0x1;
	s7 =	sadd.s32 s21, s5  }
0x9f: {  	[timem:s9], [sflag:s22] =	dma.local [hbm:s7], s20  }
0xa0: {  	_ =	swait.ge [sflag:s22], s20  }
0xa1: {  	s6 =	ssub.s32 $0x0, s20;
	[sflag:s22] =	ssyncset.done $0x0  }
0xa2: {  	[sflag:s22] =	ssyncadd.s32 s6;
	_ =	sdelay $0x1  }
0xa3: {  	s23 =	simm.s32 $0x1B8B  }
0xa4: {  	_ =	swait.ge [sflag:s23], $0x1  }
0xa5: {  	[sflag:s23] =	ssyncset.done $0x0  }
0xa6: {  	s25 =	simm.s32 $0x1B8E;
	s24 =	sld [smem:$0x3FFE];
	[sflag:s23] =	ssyncadd.s32 $0xFFFFFFFF  }
0xa7: {  	s26 =	simm.s32 $execute0_lowered;
	[smem:$0x3FD2] =	sst s25  }
0xa8: {  	s7 =	sshll.u32 s26, $0x1;
	_ =	strace $0x80000049;
	[dreg:$0x1] =	wrdreg $0xFFFFFFFF  }
0xa9: {  	s28 =	simm.s32 $_size_execute0_lowered;
	s5 =	sadd.s32 s5, s7;
	[dreg:$0x0] =	wrdreg $0x0  }
0xaa: {  	s7 =	sshll.u32 s28, $0x1;
	[dreg:$0x2] =	wrdreg s5  }
0xab: {  	[dreg:$0x3] =	wrdreg s7  }
0xac: {  	[dreg:$0x4] =	wrdreg $0xC0  }
0xad: {  	_ =	task [dreg:s9], $0x5FFFF  }
0xae: {  	[dreg:$0x1] =	wrdreg $0xFFFFFFFF  }
0xaf: {  	[dreg:$0x0] =	wrdreg $0x60  }
0xb0: {  	[dreg:$0x2] =	wrdreg s24  }
0xb1: {  	[dreg:$0x3] =	wrdreg s18  }
0xb2: {  	[dreg:$0x4] =	wrdreg s2  }
0xb3: {  	[dreg:$0x5] =	wrdreg s4  }
0xb4: {  	[dreg:$0x6] =	wrdreg $0x9  }
0xb5: {  	_ =	task.clear_ibuf [dreg:s9], $0x7FFFF;
	_ =	strace $0x90000049  }
0xb6: {  	s29 =	simm.s32 $0x9;
	_ =	strace $0x8000004B  }
0xb7: {  	_ =	swait.ge [sflag:s29], $0x1  }
0xb8: {  	[sflag:s29] =	ssyncadd.s32 $0xFFFFFFFF  }
0xb9: {  	_ =	strace $0x9000004B  }
0xba: {  	_ =	sfence  }
0xbb: {  	s30 =	sld [smem:$0x0];
	_ =	sdelay $0x2  }
0xbc: {  	s31 =	sshll.u32 s1, $0xD;
	s1 =	sshrl.u32 s1, $0x2  }
0xbd: {  	s3 =	sand.u32 $0x4000, s31;
	s1 =	sadd.s32 s1, s30  }
0xbe: {  	s0 =	sor.u32 s3, s0;
	s1 =	sshll.u32 s1, $0x11  }
0xbf: {  	s0 =	sor.u32 s1, s0  }
0xc0: {  	s0 =	sadd.s32 $0x8F2B, s0  }
0xc1: {  	[sflag:s0] =	ssyncadd.remote.s32 $0x1  }
0xc2: {  	_ =	sfence.sel $0xFFFF  }
0xc3: {  	[dreg:$0x0] =	wrdreg $0xFFFFFFFF;
	(pc) =	sbr.abs _section_cstart, $3  }
0xc4: {  	[dreg:$0x1] =	wrdreg $0xFFFFFFFF  }
0xc5: {  	_ =	task.clear_ibuf [dreg:s9], $0x2FFFF;
	_ =	strace $0x9FFFFFFF  }
0xc6: {  	(tm) =	ssettm $0x7FFFFFFF  }
0xc7: {  	_ =	shalt  }
tec
execute0_lowered:
.L_overlay_start_1:
0x0: {  	(tag) =	ssettag $0x1  }
0x1: {  	s0 =	rddreg [dreg:$0x0]  }
0x2: {  	s1 =	rddreg [dreg:$0x1]  }
0x3: {  	s2 =	rddreg [dreg:$0x2];
	s4 =	simm.s32 $0x0  }
0x4: {  	s5 =	srdreg.scid;
	s10 =	simm.s32 $0x1390;
	s12 =	simm.s32 $0x8080  }
0x5: {  	s13 =	simm.s32 $0x2;
	s14 =	simm.s32 $0x1000;
	s16 =	simm.s32 $0x2000  }
0x6: {  	s17 =	simm.s32 $0x1;
	s19 =	simm.s32 $0x4880;
	s20 =	simm.s32 $0x5080  }
0x7: {  	s21 =	simm.s32 $0x5880;
	s22 =	simm.s32 $0x6080;
	s23 =	simm.s32 $0x6880  }
0x8: {  	s24 =	simm.s32 $0x7080;
	s25 =	simm.s32 $0x7880;
	s26 =	simm.s32 $0x0  }
0x9: {  	[smem:$0x7FF] =	sst s4;
	s8 =	sand.u32 $0x1, s5;
	s6 =	sadd.s32 $0x76600, s0  }
0xa: {  	s7 =	sadd.s32 $0x112A00, s0;
	s5 =	stileid.u32;
	s31 =	smul.u32 $0x139000, s8  }
0xb: {  	_ =	strace $0x8000004A;
	s9 =	ssub.s32 $0x2, s8;
	s15 =	smul.u32 $0x1390, s8  }
.Ltmp0:
0xc: {  	p0 =	seq.s32 s8, $0x0;
	s11 =	sshll.u32 s5, $0xC;
	(pc) =	sbr.rel .LBB2_1-.Ltmp0, $4  }
0xd: {  	v2 =	vimm.s32 $0x0;
	s8 =	sxor.u32 $0x139, s8;
	s30 =	sshrl.u32 s9, $0x1;
	s10 =	simm.s32 @!p0 $0x1380  }
0xe: {  	v3 =	vlaneseq.u32;
	v4 =	vimm.s32 $0x2710;
	vm0 =	vmmov $0xffff;
	s0 =	ssub.s32 s9, s30;
	s11 =	sadd.s32 s11, s31;
	s9 =	smul.u32 $0x4E20, s5  }
0xf: {  	v5 =	vand.u32 $0x7, v3;
	v6 =	vshrl.u32 v3, $0x3;
	s18 =	sadd.s32 s15, s10;
	v0 =	vmov s15;
	s15 =	simm.s32 $0x3000;
	s11 =	sshrl.u32 s11, $0x3  }
0x10: {  	v7 =	vor.u32 $0x8, v3;
	v6 =	vmul.u32 $0x8, v6;
	s10 =	smax.u32 s0, $0x1;
	v1 =	vmov s18;
	s18 =	simm.s32 $0x4080;
	s11 =	sadd.s32 s11, s7  }
.LBB2_10:
0x11: {  	s26 =	sadd.s32 $0x1, s26  }
0x12: {  	p0 =	sne.s32 s26, s10  }
.Ltmp1:
0x13: {  	_ = 	snop;
	(pc) =	sbr.rel @!p0 .LBB2_11-.Ltmp1, $1  }
0x14: {  	_ =	sdelay $0x3  }
.LBB2_1:
0x15: {  	s0 =	rddreg [dreg:$0x3];
	s31 =	sadd.s32 $0x0, s5  }
0x16: {  	[tilespmem:s12], [sflag:$0x2] =	stream.linear.gather [hbm4b:s0+s4], $0x1000, $0x38;
	[tilespmem:$0x9080] =	vst v63  }
0x17: {  	p0 =	sge.u32 s31, s8;
	_ =	swait.ge [sflag:s13], $0x1000  }
0x18: {  	s0 =	simm.s32 @!p0 $0x0;
	[sflag:s13] =	ssyncset.done $0x0  }
0x19: {  	s28 =	simm.s32 @!p0 $0x8080;
	s30 =	simm.s32 @!p0 $0x2;
	[sflag:s13] =	ssyncadd.s32 $0xFFFFF000  }
0x1a: {  	[hbm4b:s11+s0] =	stream.linear.scatter @!p0 [tilespmem:s28], [sflag:$0x2], $0x1000, $0x38;
	[tilespmem:$0x9080] =	vst v63  }
0x1b: {  	s29 =	simm.s32 $0x20;
	_ =	swait.ge @!p0 [sflag:s30], $0x1000  }
0x1c: {  	s28 =	simm.s32 $0x10;
	s0 =	sadd.s32 $0x2000, s11;
	[sflag:s30] =	ssyncset.done @!p0 $0x0  }
.LBB2_2:
0x1d: {  	s31 =	sadd.s32 s28, s5;
	s28 =	smov.u32 s29;
	s29 =	sadd.s32 $0x10, s29  }
0x1e: {  	[sflag:s30] =	ssyncadd.s32 @!p0 $0xFFFFF000;
	p1 =	sne.s32 s29, $0x140  }
.Ltmp2:
0x1f: {  	p0 =	sge.u32 s31, s8;
	(pc) =	sbr.rel @p1 .LBB2_2-.Ltmp2, $4  }
0x20: {  	s31 =	simm.s32 @!p0 $0x0;
	s3 =	simm.s32 @!p0 $0x8080;
	s30 =	simm.s32 @!p0 $0x2  }
0x21: {  	[hbm4b:s0+s31] =	stream.linear.scatter @!p0 [tilespmem:s3], [sflag:$0x2], $0x1000, $0x38;
	[tilespmem:$0x9080] =	vst v63  }
0x22: {  	_ =	swait.ge @!p0 [sflag:s30], $0x1000  }
0x23: {  	s0 =	sadd.s32 $0x2000, s0;
	[sflag:s30] =	ssyncset.done @!p0 $0x0  }
0x24: {  	s3 =	sadd.s32 s28, s5  }
0x25: {  	[sflag:s30] =	ssyncadd.s32 @!p0 $0xFFFFF000;
	p0 =	sge.u32 s3, s8  }
0x26: {  	s3 =	simm.s32 @!p0 $0x0;
	s28 =	simm.s32 @!p0 $0x8080;
	s29 =	simm.s32 @!p0 $0x2  }
0x27: {  	[hbm4b:s0+s3] =	stream.linear.scatter @!p0 [tilespmem:s28], [sflag:$0x2], $0x1000, $0x38;
	[tilespmem:$0x9080] =	vst v63  }
.Ltmp3:
0x28: {  	_ =	swait.ge @!p0 [sflag:s29], $0x1000;
	(pc) =	sbr.rel .LBB2_4-.Ltmp3, $4  }
0x29: {  	[sflag:s29] =	ssyncset.done @!p0 $0x0  }
0x2a: {  	[sflag:s29] =	ssyncadd.s32 @!p0 $0xFFFFF000  }
0x2b: {  	[bflag:$0x0] =	sbarrier.arrive $0xFFFF  }
0x2c: {  	s28 =	simm.s32 $0x0;
	s29 =	simm.s32 $0x0  }
.LBB2_9:
0x2d: {  	s29 =	sadd.s32 $0x1, s29  }
0x2e: {  	p0 =	sne.s32 s29, $0x5  }
.Ltmp4:
0x2f: {  	_ = 	snop;
	(pc) =	sbr.rel @!p0 .LBB2_10-.Ltmp4, $1  }
0x30: {  	_ =	sdelay $0x3  }
.LBB2_4:
0x31: {  	s0 =	smul.u32 $0xFA0, s29;
	_ =	sdelay $0x1  }
0x32: {  	s0 =	sadd.s32 s9, s0  }
0x33: {  	s0 =	sshrl.u32 s0, $0x3  }
0x34: {  	s3 =	sadd.s32 s1, s0  }
0x35: {  	[tilespmem:s28], [sflag:$0x2] =	stream.linear.gather [hbm4b:s3+s28], $0xFA0, $0x38;
	[tilespmem:$0x9080] =	vst v63  }
0x36: {  	_ =	swait.ge [sflag:s13], $0xFA0  }
0x37: {  	[sflag:s13] =	ssyncset.done $0x0  }
0x38: {  	s0 =	sadd.s32 s2, s0;
	[sflag:s13] =	ssyncadd.s32 $0xFFFFF060  }
0x39: {  	[tilespmem:s14], [sflag:$0x2] =	stream.linear.gather [hbm4b:s0+s28], $0xFA0, $0x38;
	[tilespmem:$0x9080] =	vst v63  }
0x3a: {  	_ =	swait.ge [sflag:s13], $0xFA0  }
0x3b: {  	[sflag:s13] =	ssyncset.done $0x0  }
0x3c: {  	s3 =	simm.s32 $0x0;
	[sflag:s13] =	ssyncadd.s32 $0xFFFFF060  }
0x3d: {  	v8 =	vld [tilespmem:s3+$0x1000];
	_ =	sdelay $0x4  }
0x3e: {  	vm1 =	vge.s32 v8, v0;
	vm2 =	vlt.s32 v8, v1  }
0x3f: {  	vm1 =	vmand vm1, vm2  }
0x40: {  	v9 =	vsel vm1, $0x1, v2  }
0x41: {  	(xrf0) =	vadd.scan.msk.s32 $0xffff, v9;
	_ =	sdelay $0x4  }
0x42: {  	v63 =	vsel vm1, $0xFFFFFFFF, v2  }
0x43: {  	v9 =	vadd.s32 s28, v63;
	v10, _, _ =	vpop (xrf0)  }
0x44: {  	v9 =	vadd.s32 v10, v9;
	(v2sf) =	vpush v10, $0xF  }
0x45: {  	v11 =	vld [tilespmem:s3+$0x0];
	_ =	sdelay $0x3  }
0x46: {  	[tilespmem:v9+s15+$0x0] =	vst.idx.msk vm1, v8  }
0x47: {  	s31 =	simm.s32 $0x80;
	s30 =	simm.s32 $0x0;
	s0 =	simm.s32 $0x10;
	[tilespmem:v9+s16+$0x0] =	vst.idx.msk vm1, v11  }
.LBB2_5:
0x48: {  	p0 =	sne.s32 s31, $0x3E40;
	v8 =	vld [tilespmem:s0+$0x1000];
	_ =	sdelay $0x4  }
0x49: {  	vm1 =	vge.s32 v8, v0;
	vm2 =	vlt.s32 v8, v1  }
0x4a: {  	vm1 =	vmand vm1, vm2  }
0x4b: {  	v9 =	vsel vm1, $0xFFFFFFFF, v2;
	v10 =	vsel vm1, $0x1, v2  }
0x4c: {  	(xrf0) =	vadd.scan.msk.s32 $0xffff, v10;
	s3 =	spop (v2sf)  }
0x4d: {  	s30 =	sadd.s32 s30, s3  }
0x4e: {  	v9 =	vadd.s32 s30, v9;
	_ =	sdelay $0x3  }
0x4f: {  	v10, _, _ =	vpop (xrf0)  }
0x50: {  	v9 =	vadd.s32 v10, v9;
	(v2sf) =	vpush v10, $0xF  }
0x51: {  	v10 =	vld [tilespmem:s0+$0x0]  }
.Ltmp5:
0x52: {  	(pc) =	sbr.rel @p0 .LBB2_5-.Ltmp5, $3  }
0x53: {  	_ =	sdelay $0x1  }
0x54: {  	[tilespmem:v9+s15+$0x0] =	vst.idx.msk vm1, v8  }
0x55: {  	s0 =	sshra.s32 s31, $0x2;
	s31 =	sadd.s32 $0x40, s31;
	[tilespmem:v9+s16+$0x0] =	vst.idx.msk vm1, v10  }
0x56: {  	v8 =	vld [tilespmem:s0+$0x1000];
	_ =	sdelay $0x4  }
0x57: {  	vm1 =	vge.s32 v8, v0;
	vm2 =	vlt.s32 v8, v1  }
0x58: {  	vm1 =	vmand vm1, vm2  }
0x59: {  	v9 =	vsel vm1, $0x1, v2  }
0x5a: {  	(xrf0) =	vadd.scan.msk.s32 $0xffff, v9;
	_ =	sdelay $0x5  }
0x5b: {  	v9, _, _ =	vpop (xrf0)  }
0x5c: {  	(v2sf) =	vpush v9, $0xF;
	_ =	sdelay $0xb  }
0x5d: {  	s3 =	spop (v2sf)  }
0x5e: {  	v10 =	vsel vm1, $0xFFFFFFFF, v2;
	s3 =	sadd.s32 s30, s3  }
0x5f: {  	v10 =	vadd.s32 s3, v10  }
0x60: {  	v9 =	vadd.s32 v9, v10;
	s30 =	spop (v2sf)  }
0x61: {  	v62 =	vld [tilespmem:s0+$0x0];
	s0 =	sadd.s32 s3, s30  }
0x62: {  	s3 =	sadd.s32 $0x10, s0  }
0x63: {  	v11 =	vadd.s32 s0, v3;
	v12 =	vadd.s32 s3, v3;
	s3 =	sadd.s32 $0x3F, s0  }
0x64: {  	s31 =	sadd.s32 $0x20, s0;
	s0 =	sadd.s32 $0x30, s0;
	s30 =	sand.u32 $0x3F, s3  }
0x65: {  	[tilespmem:v9+s15+$0x0] =	vst.idx.msk vm1, v8;
	v8 =	vadd.s32 s31, v3;
	s31 =	sshra.s32 s3, $0x1F;
	p0 =	slt.s32 s3, $0x1;
	p1 =	sne.s32 s30, $0x0  }
0x66: {  	v63 =	vadd.s32 s0, v3;
	s0 =	sshrl.u32 s31, $0x1A;
	p0 =	por !p0, !p1  }
0x67: {  	[tilespmem:v9+s16+$0x0] =	vst.idx.msk vm1, v62;
	s0 =	sadd.s32 s0, s3;
	s3 =	simm.s32 $0x1;
	p0 =	por !p0, !p0  }
0x68: {  	[tilespmem:v11+s15+$0x0] =	vst.idx.msk $0xffff, v4;
	s0 =	sshra.s32 s0, $0x6;
	s3 =	simm.s32 @!p0 $0x0  }
0x69: {  	[tilespmem:v11+s16+$0x0] =	vst.idx.msk $0xffff, v2;
	s30 =	ssub.s32 s0, s3  }
0x6a: {  	[tilespmem:v12+s15+$0x0] =	vst.idx.msk $0xffff, v4;
	p0 =	slt.s32 s30, $0x1  }
.Ltmp6:
0x6b: {  	[tilespmem:v12+s16+$0x0] =	vst.idx.msk $0xffff, v2;
	(pc) =	sbr.rel @p0 .LBB2_9-.Ltmp6, $4  }
0x6c: {  	[tilespmem:v8+s15+$0x0] =	vst.idx.msk $0xffff, v4  }
0x6d: {  	[tilespmem:v8+s16+$0x0] =	vst.idx.msk $0xffff, v2  }
0x6e: {  	[tilespmem:v63+s15+$0x0] =	vst.idx.msk $0xffff, v4  }
0x6f: {  	[tilespmem:v63+s16+$0x0] =	vst.idx.msk $0xffff, v2  }
0x70: {  	s31 =	simm.s32 $0x3020;
	s0 =	simm.s32 $0x2020  }
.LBB2_8:
0x71: {  	v8 =	vld [tilespmem:s0+$0xFFFFFFE0];
	_ =	sdelay $0x4  }
0x72: {  	[tilespmem:$0x4000] =	vst v8  }
0x73: {  	v9 =	vld [tilespmem:s0+$0xFFFFFFF0];
	_ =	sdelay $0x4  }
0x74: {  	[tilespmem:$0x4010] =	vst v9  }
0x75: {  	v9 =	vld [tilespmem:s0+$0x0];
	_ =	sdelay $0x1  }
0x76: {  	v10 =	vshll.u32 v8, $0x1  }
0x77: {  	v8 =	vand.u32 $0x7, v8;
	v10 =	vand.u32 $0xFFFFFFF0, v10  }
0x78: {  	v8 =	vor.u32 v8, v10  }
0x79: {  	v55 =	vperm.xlane v8, v5;
	[tilespmem:$0x4020] =	vst v9  }
0x7a: {  	v56 =	vld [tilespmem:s0+$0x10]  }
0x7b: {  	v8 =	vperm.xlane v8, v7;
	v9 =	vadd.s32 v6, v55;
	_ =	sdelay $0x1  }
0x7c: {  	v8 =	vadd.s32 v6, v8;
	_ =	sdelay $0x1  }
0x7d: {  	[tilespmem:$0x4030] =	vst v56  }
0x7e: {  	[tilespmem:s18], [sflag:$0x1] =	stream.indirect_vreg.gather [hbm4b:s6+s4], $0x80, v9, vm0, $0xb8;
	[tilespmem:$0x9080] =	vst v63  }
0x7f: {  	_ = 	snop  }
0x80: {  	[tilespmem:s19], [sflag:$0x1] =	stream.indirect_vreg.gather [hbm4b:s6+s4], $0x80, v8, vm0, $0xb8;
	[tilespmem:$0x9080] =	vst v63  }
0x81: {  	v8 =	vld [tilespmem:$0x4010];
	_ =	sdelay $0x4  }
0x82: {  	v57 =	vshll.u32 v8, $0x1  }
0x83: {  	v8 =	vand.u32 $0x7, v8;
	v9 =	vand.u32 $0xFFFFFFF0, v57  }
0x84: {  	v8 =	vor.u32 v8, v9  }
0x85: {  	v9 =	vperm.xlane v8, v5;
	_ =	sdelay $0x1  }
0x86: {  	v8 =	vperm.xlane v8, v7;
	v9 =	vadd.s32 v6, v9;
	_ =	sdelay $0x1  }
0x87: {  	v8 =	vadd.s32 v6, v8;
	_ =	sdelay $0x2  }
0x88: {  	[tilespmem:s20], [sflag:$0x1] =	stream.indirect_vreg.gather [hbm4b:s6+s4], $0x80, v9, vm0, $0xb8;
	[tilespmem:$0x9080] =	vst v63  }
0x89: {  	_ = 	snop  }
0x8a: {  	[tilespmem:s21], [sflag:$0x1] =	stream.indirect_vreg.gather [hbm4b:s6+s4], $0x80, v8, vm0, $0xb8;
	[tilespmem:$0x9080] =	vst v63  }
0x8b: {  	v8 =	vld [tilespmem:$0x4020];
	_ =	sdelay $0x4  }
0x8c: {  	v58 =	vshll.u32 v8, $0x1  }
0x8d: {  	v8 =	vand.u32 $0x7, v8;
	v9 =	vand.u32 $0xFFFFFFF0, v58  }
0x8e: {  	v8 =	vor.u32 v8, v9  }
0x8f: {  	v9 =	vperm.xlane v8, v5;
	_ =	sdelay $0x1  }
0x90: {  	v8 =	vperm.xlane v8, v7;
	v9 =	vadd.s32 v6, v9;
	_ =	sdelay $0x1  }
0x91: {  	v8 =	vadd.s32 v6, v8;
	_ =	sdelay $0x2  }
0x92: {  	[tilespmem:s22], [sflag:$0x1] =	stream.indirect_vreg.gather [hbm4b:s6+s4], $0x80, v9, vm0, $0xb8;
	[tilespmem:$0x9080] =	vst v63  }
0x93: {  	_ = 	snop  }
0x94: {  	[tilespmem:s23], [sflag:$0x1] =	stream.indirect_vreg.gather [hbm4b:s6+s4], $0x80, v8, vm0, $0xb8;
	[tilespmem:$0x9080] =	vst v63  }
0x95: {  	v8 =	vld [tilespmem:$0x4030];
	_ =	sdelay $0x4  }
0x96: {  	v59 =	vshll.u32 v8, $0x1  }
0x97: {  	v8 =	vand.u32 $0x7, v8;
	v9 =	vand.u32 $0xFFFFFFF0, v59  }
0x98: {  	v8 =	vor.u32 v8, v9  }
0x99: {  	v9 =	vperm.xlane v8, v5;
	_ =	sdelay $0x1  }
0x9a: {  	v8 =	vperm.xlane v8, v7;
	v9 =	vadd.s32 v6, v9;
	_ =	sdelay $0x1  }
0x9b: {  	v8 =	vadd.s32 v6, v8;
	_ =	sdelay $0x2  }
0x9c: {  	[tilespmem:s24], [sflag:$0x1] =	stream.indirect_vreg.gather [hbm4b:s6+s4], $0x80, v9, vm0, $0xb8;
	[tilespmem:$0x9080] =	vst v63  }
0x9d: {  	_ = 	snop  }
0x9e: {  	[tilespmem:s25], [sflag:$0x1] =	stream.indirect_vreg.gather [hbm4b:s6+s4], $0x80, v8, vm0, $0xb8;
	[tilespmem:$0x9080] =	vst v63  }
0x9f: {  	_ =	swait.ge [sflag:s17], $0x4000  }
0xa0: {  	[sflag:s17] =	ssyncset.done $0x0  }
0xa1: {  	[sflag:s17] =	ssyncadd.s32 $0xFFFFC000  }
0xa2: {  	v8 =	vld [tilespmem:s31+$0xFFFFFFE0];
	_ =	sdelay $0x4  }
0xa3: {  	v60 =	vshll.u32 v8, $0x1  }
0xa4: {  	v8 =	vand.u32 $0x7, v8;
	v9 =	vand.u32 $0xFFFFFFF0, v60  }
0xa5: {  	v8 =	vor.u32 v8, v9  }
0xa6: {  	v9 =	vperm.xlane v8, v5;
	_ =	sdelay $0x1  }
0xa7: {  	v8 =	vperm.xlane v8, v7;
	v9 =	vadd.s32 v6, v9;
	_ =	sdelay $0x1  }
0xa8: {  	v8 =	vadd.s32 v6, v8;
	_ =	sdelay $0x2  }
0xa9: {  	[hbm4b:s7+s4] =	stream.indirect_vreg.scatter [tilespmem:s18], [sflag:$0x2], $0x80, v9, vm0, $0xb8;
	[tilespmem:$0x9080] =	vst v63  }
0xaa: {  	_ = 	snop  }
0xab: {  	[hbm4b:s7+s4] =	stream.indirect_vreg.scatter [tilespmem:s19], [sflag:$0x2], $0x80, v8, vm0, $0xb8;
	[tilespmem:$0x9080] =	vst v63  }
0xac: {  	_ =	swait.ge [sflag:s13], $0x1000  }
0xad: {  	[sflag:s13] =	ssyncset.done $0x0  }
0xae: {  	[sflag:s13] =	ssyncadd.s32 $0xFFFFF000  }
0xaf: {  	v8 =	vld [tilespmem:s31+$0xFFFFFFF0];
	_ =	sdelay $0x4  }
0xb0: {  	v61 =	vshll.u32 v8, $0x1  }
0xb1: {  	v8 =	vand.u32 $0x7, v8;
	v9 =	vand.u32 $0xFFFFFFF0, v61  }
0xb2: {  	v8 =	vor.u32 v8, v9  }
0xb3: {  	v9 =	vperm.xlane v8, v5;
	_ =	sdelay $0x1  }
0xb4: {  	v8 =	vperm.xlane v8, v7;
	v9 =	vadd.s32 v6, v9;
	_ =	sdelay $0x1  }
0xb5: {  	v8 =	vadd.s32 v6, v8;
	_ =	sdelay $0x2  }
0xb6: {  	[hbm4b:s7+s4] =	stream.indirect_vreg.scatter [tilespmem:s20], [sflag:$0x2], $0x80, v9, vm0, $0xb8;
	[tilespmem:$0x9080] =	vst v63  }
0xb7: {  	_ = 	snop  }
0xb8: {  	[hbm4b:s7+s4] =	stream.indirect_vreg.scatter [tilespmem:s21], [sflag:$0x2], $0x80, v8, vm0, $0xb8;
	[tilespmem:$0x9080] =	vst v63  }
0xb9: {  	_ =	swait.ge [sflag:s13], $0x1000  }
0xba: {  	[sflag:s13] =	ssyncset.done $0x0  }
0xbb: {  	[sflag:s13] =	ssyncadd.s32 $0xFFFFF000  }
0xbc: {  	v8 =	vld [tilespmem:s31+$0x0];
	_ =	sdelay $0x4  }
0xbd: {  	v62 =	vshll.u32 v8, $0x1  }
0xbe: {  	v8 =	vand.u32 $0x7, v8;
	v9 =	vand.u32 $0xFFFFFFF0, v62  }
0xbf: {  	v8 =	vor.u32 v8, v9  }
0xc0: {  	v9 =	vperm.xlane v8, v5;
	_ =	sdelay $0x1  }
0xc1: {  	v8 =	vperm.xlane v8, v7;
	v9 =	vadd.s32 v6, v9;
	_ =	sdelay $0x1  }
0xc2: {  	v8 =	vadd.s32 v6, v8;
	_ =	sdelay $0x2  }
0xc3: {  	[hbm4b:s7+s4] =	stream.indirect_vreg.scatter [tilespmem:s22], [sflag:$0x2], $0x80, v9, vm0, $0xb8;
	[tilespmem:$0x9080] =	vst v63  }
0xc4: {  	_ = 	snop  }
0xc5: {  	[hbm4b:s7+s4] =	stream.indirect_vreg.scatter [tilespmem:s23], [sflag:$0x2], $0x80, v8, vm0, $0xb8;
	[tilespmem:$0x9080] =	vst v63  }
0xc6: {  	_ =	swait.ge [sflag:s13], $0x1000  }
0xc7: {  	[sflag:s13] =	ssyncset.done $0x0  }
0xc8: {  	[sflag:s13] =	ssyncadd.s32 $0xFFFFF000  }
0xc9: {  	v8 =	vld [tilespmem:s31+$0x10];
	_ =	sdelay $0x4  }
0xca: {  	v63 =	vshll.u32 v8, $0x1  }
0xcb: {  	v8 =	vand.u32 $0x7, v8;
	v9 =	vand.u32 $0xFFFFFFF0, v63  }
0xcc: {  	v8 =	vor.u32 v8, v9  }
0xcd: {  	v9 =	vperm.xlane v8, v5;
	_ =	sdelay $0x1  }
0xce: {  	v8 =	vperm.xlane v8, v7;
	v9 =	vadd.s32 v6, v9;
	_ =	sdelay $0x1  }
0xcf: {  	v8 =	vadd.s32 v6, v8;
	_ =	sdelay $0x1  }
0xd0: {  	p0 =	sne.s32 s30, $0x1  }
0xd1: {  	[hbm4b:s7+s4] =	stream.indirect_vreg.scatter [tilespmem:s24], [sflag:$0x2], $0x80, v9, vm0, $0xb8;
	[tilespmem:$0x9080] =	vst v63  }
.Ltmp7:
0xd2: {  	_ = 	snop;
	(pc) =	sbr.rel @p0 .LBB2_8-.Ltmp7, $4  }
0xd3: {  	[hbm4b:s7+s4] =	stream.indirect_vreg.scatter [tilespmem:s25], [sflag:$0x2], $0x80, v8, vm0, $0xb8;
	[tilespmem:$0x9080] =	vst v63  }
0xd4: {  	_ =	swait.ge [sflag:s13], $0x1000  }
0xd5: {  	s30 =	sadd.s32 $0xFFFFFFFF, s30;
	[sflag:s13] =	ssyncset.done $0x0  }
0xd6: {  	s0 =	sadd.s32 $0x40, s0;
	s31 =	sadd.s32 $0x40, s31;
	[sflag:s13] =	ssyncadd.s32 $0xFFFFF000  }
.Ltmp8:
0xd7: {  	_ = 	snop;
	(pc) =	sbr.rel .LBB2_9-.Ltmp8, $1  }
0xd8: {  	_ =	sdelay $0x3  }
.LBB2_11:
0xd9: {  	_ =	sfence.sel $0x180000  }
0xda: {  	[bflag:$0x0] =	sbarrier.arrive $0xFFFF  }
0xdb: {  	_ =	strace $0x9000004A  }
0xdc: {  	[bflag:$0x2] =	sbarrier.arrive $0xFFFF  }
0xdd: {  	p0 =	sne.s32 s5, $0x0;
	s0 =	rddreg [dreg:$0x4]  }
0xde: {  	s0 =	sadd.s32 @!p0 $0x100000, s0  }
0xdf: {  	[sflag:s0] =	ssyncadd.tile.s32 @!p0 $0x1;
	_ =	shalt  }
.Lfunc_end2:
_tile_overlayer_lowered:
.L_overlay_start_2:
0xe0: {  	(tag) =	ssettag $0x2  }
0xe1: {  	s0 =	rddreg [dreg:$0x0];
	s2 =	stileid.u32  }
0xe2: {  	s1 =	rddreg [dreg:$0x1];
	p0 =	sne.s32 s2, $0x0  }
0xe3: {  	s3 =	rddreg [dreg:$0x2];
	[bflag:$0x3] =	sbarrier.arrive $0xFFFF;
	s2 =	simm.s32 @!p0 $0x1C02  }
0xe4: {  	[timem:s3], [sflag:s2] =	dma.local @!p0 [hbm:s0], s1  }
0xe5: {  	s0 =	simm.s32 @!p0 $0x2  }
0xe6: {  	_ =	swait.ge @!p0 [sflag:s0], s1  }
0xe7: {  	s1 =	ssub.s32 @!p0 $0x0, s1;
	[sflag:s0] =	ssyncset.done @!p0 $0x0  }
0xe8: {  	[sflag:s0] =	ssyncadd.s32 @!p0 s1  }
0xe9: {  	[bflag:$0x3] =	sbarrier.arrive $0xFFFF  }
0xea: {  	_ =	shalt  }

// kernel: kernel.7.cloned.1.call-start
scs
__scs_entry_jumppad:
0x0: {  	(pc) =	sbr.rel $0x88, $3  }
0x1: {  	(tag) =	ssettag $0x0;
	lr =	simm.s32 $0x1  }
0x2: {  	[smem:$0x3F9D] =	sst lr;
	_ =	strace $0xD0000000  }
0x3: {  	_ = 	snop  }
0x4: {  	_ = 	snop  }
0x5: {  	_ = 	snop  }
0x6: {  	_ = 	snop  }
0x7: {  	_ = 	snop  }
__scs_overlays_trampoline_lowered:
0x8: {  	[smem:$0x3FAC] =	sst s0  }
0x9: {  	[smem:$0x3FAD] =	sst s1  }
0xa: {  	[smem:$0x3FAE] =	sst s2  }
0xb: {  	[smem:$0x3FAF] =	sst s3  }
0xc: {  	[smem:$0x3FB0] =	sst s4  }
0xd: {  	[smem:$0x3FB1] =	sst s5  }
0xe: {  	[smem:$0x3FB2] =	sst s6  }
0xf: {  	[smem:$0x3FB3] =	sst s7  }
0x10: {  	[smem:$0x3FB4] =	sst s8  }
0x11: {  	[smem:$0x3FB5] =	sst s9;
	s0 =	simm.s32 @!p0 $0x0  }
0x12: {  	s1 =	sld [smem:$0x3F9B];
	s0 =	simm.s32 @p0 $0x1  }
0x13: {  	[smem:$0x3FB6] =	sst s0;
	s0 =	simm.s32 @!p1 $0x0  }
0x14: {  	s2 =	sld [smem:$0x3F9A];
	s0 =	simm.s32 @p1 $0x1  }
0x15: {  	[smem:$0x3FB7] =	sst s0;
	s0 =	simm.s32 @!p2 $0x0  }
0x16: {  	s3 =	sld [smem:$0x3FDB];
	s0 =	simm.s32 @p2 $0x1  }
0x17: {  	s4 =	simm.s32 $0x1BF5;
	[smem:$0x3FB9] =	sst s0  }
0x18: {  	s0 =	sld [smem:$0x3F9C];
	_ =	swait.ge [sflag:s4], $0x0  }
0x19: {  	s7 =	sld [smem:$0x3F9D]  }
0x1a: {  	s8 =	sadd.s32 $0xFFFFE003, lr  }
0x1b: {  	s9 =	sadd.s32 $0xFFFFFEF7, lr;
	s5 =	simm.s32 $0xFFFFFFFF;
	p2 =	slt.u32 s8, $0xFFFFF086  }
0x1c: {  	p1 =	slt.u32 s9, $0xF7A;
	s5 =	simm.s32 @!p2 $0x0  }
0x1d: {  	s5 =	simm.s32 @p1 $0x1;
	p0 =	seq.s32 s7, s2  }
0x1e: {  	s7 =	smul.u32 @!p0 $0xF7A, s2;
	p2 =	seq.s32 @!p0 s5, $0x0  }
0x1f: {  	s9 =	smul.u32 $0xF7A, s1;
	s8 =	simm.s32 @!p0 $0x1BF5;
	p2 =	por !p2, p0  }
0x20: {  	[sflag:s8] =	ssyncset.s32 @!p0 $0xFFFFF086;
	s6 =	sadd.s32 @!p0 s3, s7;
	s7 =	simm.s32 @!p0 $0x108  }
0x21: {  	s3 =	sadd.s32 s3, s9;
	s6 =	sadd.s32 @!p0 $0x88, s6;
	s7 =	simm.s32 @p2 $0x1082  }
0x22: {  	[simem:s7], [sflag:s8] =	dma.local @!p0 [hbm:s6], $0xF7A  }
0x23: {  	s9 =	sor.u32 $0xD0000000, s2;
	s6 =	simm.s32 $0x108;
	_ =	swait.ge @!p0 [sflag:s8], $0x0  }
0x24: {  	s3 =	sadd.s32 $0x88, s3;
	s6 =	simm.s32 @!p1 $0x1082;
	[sflag:s4] =	ssyncset.s32 $0xFFFFF086  }
0x25: {  	[simem:s6], [sflag:s4] =	dma.local [hbm:s3], $0xF7A  }
0x26: {  	[smem:$0x3F9D] =	sst s1;
	(tag) =	ssettag s2;
	_ =	strace s9  }
0x27: {  	s1 =	sld [smem:$0x3FAD]  }
0x28: {  	s2 =	sld [smem:$0x3FAE]  }
0x29: {  	s4 =	sld [smem:$0x3FB0]  }
0x2a: {  	p0 =	seq.s32 s5, $0x0;
	s5 =	sld [smem:$0x3FB1]  }
0x2b: {  	s6 =	sld [smem:$0x3FB2]  }
0x2c: {  	s7 =	sld [smem:$0x3FB3]  }
0x2d: {  	s3 =	simm.s32 $0x108;
	s8 =	sld [smem:$0x3FB4]  }
0x2e: {  	s3 =	simm.s32 @!p0 $0x1082;
	s9 =	sld [smem:$0x3FB5]  }
0x2f: {  	lr =	sadd.s32 s0, s3;
	s0 =	sld [smem:$0x3FAC]  }
0x30: {  	s3 =	sld [smem:$0x3FAF]  }
0x31: {  	[smem:$0x3FB8] =	sst s10  }
0x32: {  	s10 =	sld [smem:$0x3FB6];
	_ =	sdelay $0x3  }
0x33: {  	p0 =	seq.s32 s10, $0x1;
	s10 =	sld [smem:$0x3FB8];
	_ =	sdelay $0x3  }
0x34: {  	[smem:$0x3FB8] =	sst s10  }
0x35: {  	s10 =	sld [smem:$0x3FB7];
	_ =	sdelay $0x3  }
0x36: {  	p1 =	seq.s32 s10, $0x1;
	s10 =	sld [smem:$0x3FB8];
	_ =	sdelay $0x3  }
0x37: {  	[smem:$0x3FB8] =	sst s10  }
0x38: {  	s10 =	sld [smem:$0x3FB9]  }
0x39: {  	_ = 	snop;
	(pc) =	sbr.ind lr, $3  }
0x3a: {  	_ = 	snop  }
0x3b: {  	_ = 	snop  }
0x3c: {  	p2 =	seq.s32 s10, $0x1;
	s10 =	sld [smem:$0x3FB8]  }
0x3d: {  	_ =	shalt  }
0x3e: {  	_ =	shalt  }
0x3f: {  	_ =	shalt  }
0x40: {  	_ =	shalt  }
0x41: {  	_ =	shalt  }
0x42: {  	_ =	shalt  }
0x43: {  	_ =	shalt  }
0x44: {  	_ =	shalt  }
0x45: {  	_ =	shalt  }
0x46: {  	_ =	shalt  }
0x47: {  	_ =	shalt  }
0x48: {  	_ =	shalt  }
0x49: {  	_ =	shalt  }
0x4a: {  	_ =	shalt  }
0x4b: {  	_ =	shalt  }
0x4c: {  	_ =	shalt  }
0x4d: {  	_ =	shalt  }
0x4e: {  	_ =	shalt  }
0x4f: {  	_ =	shalt  }
0x50: {  	_ =	shalt  }
0x51: {  	_ =	shalt  }
0x52: {  	_ =	shalt  }
0x53: {  	_ =	shalt  }
0x54: {  	_ =	shalt  }
0x55: {  	_ =	shalt  }
0x56: {  	_ =	shalt  }
0x57: {  	_ =	shalt  }
0x58: {  	_ =	shalt  }
0x59: {  	_ =	shalt  }
0x5a: {  	_ =	shalt  }
0x5b: {  	_ =	shalt  }
0x5c: {  	_ =	shalt  }
0x5d: {  	_ =	shalt  }
0x5e: {  	_ =	shalt  }
0x5f: {  	_ =	shalt  }
0x60: {  	_ =	shalt  }
0x61: {  	_ =	shalt  }
0x62: {  	_ =	shalt  }
0x63: {  	_ =	shalt  }
0x64: {  	_ =	shalt  }
0x65: {  	_ =	shalt  }
0x66: {  	_ =	shalt  }
0x67: {  	_ =	shalt  }
0x68: {  	_ =	shalt  }
0x69: {  	_ =	shalt  }
0x6a: {  	_ =	shalt  }
0x6b: {  	_ =	shalt  }
0x6c: {  	_ =	shalt  }
0x6d: {  	_ =	shalt  }
0x6e: {  	_ =	shalt  }
0x6f: {  	_ =	shalt  }
0x70: {  	_ =	shalt  }
0x71: {  	_ =	shalt  }
0x72: {  	_ =	shalt  }
0x73: {  	_ =	shalt  }
0x74: {  	_ =	shalt  }
0x75: {  	_ =	shalt  }
0x76: {  	_ =	shalt  }
0x77: {  	_ =	shalt  }
0x78: {  	_ =	shalt  }
0x79: {  	_ =	shalt  }
0x7a: {  	_ =	shalt  }
0x7b: {  	_ =	shalt  }
0x7c: {  	_ =	shalt  }
0x7d: {  	_ =	shalt  }
0x7e: {  	_ =	shalt  }
0x7f: {  	_ =	shalt  }
0x80: {  	_ =	shalt  }
0x81: {  	_ =	shalt  }
0x82: {  	_ =	shalt  }
0x83: {  	_ =	shalt  }
0x84: {  	_ =	shalt  }
0x85: {  	_ =	shalt  }
0x86: {  	_ =	shalt  }
0x87: {  	_ =	shalt  }
.Lfunc_end0:
.L_simem_size_0:
called_computation_lowered:
.L_overlay_start_0:
0x88: {  	s2 =	sld [smem:$0x3FD9]  }
0x89: {  	s3 =	sld [smem:$0x3FFE];
	_ =	sdelay $0x1  }
0x8a: {  	s1 =	srdreg.scid  }
0x8b: {  	s0 =	sand.u32 $0x1, s1  }
0x8c: {  	s17 =	sshll.u32 s0, $0xA;
	s2 =	sadd.s32 s3, s2  }
0x8d: {  	s2 =	sadd.s32 s2, s17  }
0x8e: {  	[smem:$0x3FC4] =	sst s2  }
0x8f: {  	_ = 	snop  }
0x90: {  	s2 =	sld [smem:$0x3FC8]  }
0x91: {  	s18 =	sld [smem:$0x3FC7]  }
0x92: {  	s4 =	sld [smem:$0x3FD0];
	(tm) =	ssettm $0x1  }
0x93: {  	s5 =	sld [smem:$0x3FFB];
	_ =	sdelay $0x3  }
0x94: {  	_ =	strace s5  }
0x95: {  	s5 =	sld [smem:$0x3FFC];
	_ =	sdelay $0x3  }
0x96: {  	_ =	strace s5  }
0x97: {  	s5 =	sld [smem:$0x3FFD];
	_ =	sdelay $0x3  }
0x98: {  	_ =	strace s5  }
0x99: {  	_ =	strace $0x8FFFFFFF  }
0x9a: {  	s19 =	sld [smem:$0x3FDB];
	_ =	sdelay $0x1  }
0x9b: {  	s6 =	simm.s32 $_scs_section_size  }
0x9c: {  	s7 =	simm.s32 $_size__tile_overlayer_lowered;
	s8 =	simm.s32 $_tile_overlayer_lowered  }
0x9d: {  	s22 =	simm.s32 $0x1BFF;
	s21 =	sshll.u32 s8, $0x1;
	s5 =	sadd.s32 s6, s19  }
0x9e: {  	s9 =	simm.s32 $0x0;
	s20 =	sshll.u32 s7, $0x1;
	s7 =	sadd.s32 s21, s5  }
0x9f: {  	[timem:s9], [sflag:s22] =	dma.local [hbm:s7], s20  }
0xa0: {  	_ =	swait.ge [sflag:s22], s20  }
0xa1: {  	s6 =	ssub.s32 $0x0, s20;
	[sflag:s22] =	ssyncset.done $0x0  }
0xa2: {  	[sflag:s22] =	ssyncadd.s32 s6;
	_ =	sdelay $0x1  }
0xa3: {  	s23 =	simm.s32 $0x1B8B  }
0xa4: {  	_ =	swait.ge [sflag:s23], $0x1  }
0xa5: {  	[sflag:s23] =	ssyncset.done $0x0  }
0xa6: {  	s25 =	simm.s32 $0x1B8E;
	s24 =	sld [smem:$0x3FFE];
	[sflag:s23] =	ssyncadd.s32 $0xFFFFFFFF  }
0xa7: {  	s26 =	simm.s32 $execute0_lowered;
	[smem:$0x3FD2] =	sst s25  }
0xa8: {  	s7 =	sshll.u32 s26, $0x1;
	_ =	strace $0x80000046;
	[dreg:$0x1] =	wrdreg $0xFFFFFFFF  }
0xa9: {  	s28 =	simm.s32 $_size_execute0_lowered;
	s5 =	sadd.s32 s5, s7;
	[dreg:$0x0] =	wrdreg $0x0  }
0xaa: {  	s7 =	sshll.u32 s28, $0x1;
	[dreg:$0x2] =	wrdreg s5  }
0xab: {  	[dreg:$0x3] =	wrdreg s7  }
0xac: {  	[dreg:$0x4] =	wrdreg $0xC0  }
0xad: {  	_ =	task [dreg:s9], $0x5FFFF  }
0xae: {  	[dreg:$0x1] =	wrdreg $0xFFFFFFFF  }
0xaf: {  	[dreg:$0x0] =	wrdreg $0x60  }
0xb0: {  	[dreg:$0x2] =	wrdreg s24  }
0xb1: {  	[dreg:$0x3] =	wrdreg s2  }
0xb2: {  	[dreg:$0x4] =	wrdreg s18  }
0xb3: {  	[dreg:$0x5] =	wrdreg s4  }
0xb4: {  	[dreg:$0x6] =	wrdreg $0x9  }
0xb5: {  	_ =	task.clear_ibuf [dreg:s9], $0x7FFFF;
	_ =	strace $0x90000046  }
0xb6: {  	s29 =	simm.s32 $0x9;
	_ =	strace $0x80000048  }
0xb7: {  	_ =	swait.ge [sflag:s29], $0x1  }
0xb8: {  	[sflag:s29] =	ssyncadd.s32 $0xFFFFFFFF  }
0xb9: {  	_ =	strace $0x90000048  }
0xba: {  	_ =	sfence  }
0xbb: {  	s30 =	sld [smem:$0x0];
	_ =	sdelay $0x2  }
0xbc: {  	s31 =	sshll.u32 s1, $0xD;
	s1 =	sshrl.u32 s1, $0x2  }
0xbd: {  	s3 =	sand.u32 $0x4000, s31;
	s1 =	sadd.s32 s1, s30  }
0xbe: {  	s0 =	sor.u32 s3, s0;
	s1 =	sshll.u32 s1, $0x11  }
0xbf: {  	s0 =	sor.u32 s1, s0  }
0xc0: {  	s0 =	sadd.s32 $0x8F2B, s0  }
0xc1: {  	[sflag:s0] =	ssyncadd.remote.s32 $0x1  }
0xc2: {  	_ =	sfence.sel $0xFFFF  }
0xc3: {  	[dreg:$0x0] =	wrdreg $0xFFFFFFFF;
	(pc) =	sbr.abs _section_cstart, $3  }
0xc4: {  	[dreg:$0x1] =	wrdreg $0xFFFFFFFF  }
0xc5: {  	_ =	task.clear_ibuf [dreg:s9], $0x2FFFF;
	_ =	strace $0x9FFFFFFF  }
0xc6: {  	(tm) =	ssettm $0x7FFFFFFF  }
0xc7: {  	_ =	shalt  }
tec
execute0_lowered:
.L_overlay_start_1:
0x0: {  	(tag) =	ssettag $0x1  }
0x1: {  	s0 =	rddreg [dreg:$0x0];
	s5 =	simm.s32 $0x0;
	s1 =	srdreg.scid  }
0x2: {  	s4 =	stileid.u32;
	s14 =	simm.s32 $0x2;
	s16 =	simm.s32 $0x3000  }
0x3: {  	s17 =	simm.s32 $0x2000;
	s18 =	simm.s32 $0x1;
	s19 =	simm.s32 $0x4080  }
0x4: {  	s20 =	simm.s32 $0x4880;
	s21 =	simm.s32 $0x4C80;
	s22 =	simm.s32 $0x5480  }
0x5: {  	s23 =	simm.s32 $0x5880;
	s24 =	simm.s32 $0x6080;
	s28 =	simm.s32 $0x7080  }
0x6: {  	s29 =	simm.s32 $0x7880;
	s30 =	simm.s32 $0x7C80;
	s31 =	simm.s32 $0x8480  }
0x7: {  	s13 =	simm.s32 $0x9480;
	s11 =	simm.s32 $0x9C80;
	[smem:$0x7FF] =	sst s5  }
0x8: {  	s1 =	sand.u32 $0x1, s1;
	s6 =	sadd.s32 $0x1200, s0;
	s9 =	smul.u32 $0x4E20, s4  }
0x9: {  	s3 =	sshll.u32 s4, $0x4;
	s7 =	sadd.s32 $0x76600, s0;
	s2 =	smul.u32 $0x2710, s1  }
0xa: {  	s10 =	sadd.s32 $0x76700, s0;
	_ =	strace $0x80000047;
	s1 =	ssub.s32 $0x2, s1  }
0xb: {  	s8 =	sshrl.u32 s1, $0x1;
	[dreg:$0x5] =	wrdreg s9;
	s3 =	sadd.s32 s3, s2  }
.Ltmp0:
0xc: {  	s9 =	sadd.s32 $0x1300, s0;
	s3 =	sshrl.u32 s3, $0x3;
	(pc) =	sbr.rel .LBB2_1-.Ltmp0, $4  }
0xd: {  	v1 =	vlaneseq.u32;
	v3 =	vimm.s32 $0x0;
	s0 =	simm.s32 $0x8880;
	s1 =	ssub.s32 s1, s8;
	s3 =	smul.u32 $0x180, s3  }
0xe: {  	v4 =	vimm.s32 $0x4E20;
	vm0 =	vmmov $0xffff;
	s15 =	sadd.s32 $0x2710, s2;
	v0 =	vmov s2;
	s2 =	simm.s32 $0x0;
	s25 =	smax.u32 s1, $0x1  }
0xf: {  	vm1 =	vmmov $0xff;
	v6 =	vshrl.u32 v1, $0x3;
	v5 =	vand.u32 $0x7, v1;
	[dreg:$0x6] =	wrdreg s25;
	s25 =	simm.s32 $0x6480;
	s26 =	sadd.s32 s3, s7  }
0x10: {  	v7 =	vor.u32 $0x8, v1;
	v6 =	vmul.u32 $0x8, v6;
	v2 =	vmov s15;
	s3 =	simm.s32 $0x9080;
	[dreg:$0x7] =	wrdreg s26;
	s26 =	simm.s32 $0x6C80  }
.LBB2_10:
0x11: {  	s2 =	rddreg [dreg:$0x8]  }
0x12: {  	s1 =	rddreg [dreg:$0x6];
	s2 =	sadd.s32 $0x1, s2  }
0x13: {  	p0 =	sne.s32 s2, s1  }
.Ltmp1:
0x14: {  	_ = 	snop;
	(pc) =	sbr.rel @!p0 .LBB2_11-.Ltmp1, $2  }
0x15: {  	_ =	sdelay $0x2  }
0x16: {  	s4 =	stileid.u32  }
.LBB2_1:
0x17: {  	[dreg:$0x8] =	wrdreg s2  }
0x18: {  	s1 =	rddreg [dreg:$0x3];
	s12 =	simm.s32 $0xA080;
	s15 =	sadd.s32 $0x0, s4  }
0x19: {  	[tilespmem:s12], [sflag:$0x2] =	stream.linear.gather [hbm4b:s1+s5], $0x1800, $0x38;
	[tilespmem:$0xB880] =	vst v63  }
0x1a: {  	p0 =	sgt.u32 s15, $0x270;
	_ =	swait.ge [sflag:s14], $0x1800  }
0x1b: {  	s1 =	simm.s32 @!p0 $0x0;
	s2 =	simm.s32 @!p0 $0xA080;
	[sflag:s14] =	ssyncset.done $0x0  }
0x1c: {  	s12 =	simm.s32 @!p0 $0x2;
	s15 =	rddreg [dreg:$0x7];
	[sflag:s14] =	ssyncadd.s32 $0xFFFFE800  }
0x1d: {  	[hbm4b:s15+s1] =	stream.linear.scatter @!p0 [tilespmem:s2], [sflag:$0x2], $0x1800, $0x38;
	[tilespmem:$0xB880] =	vst v63  }
0x1e: {  	s8 =	simm.s32 $0x20;
	_ =	swait.ge @!p0 [sflag:s12], $0x1800  }
0x1f: {  	s2 =	simm.s32 $0x10;
	s1 =	sadd.s32 $0x3000, s15;
	[sflag:s12] =	ssyncset.done @!p0 $0x0  }
.LBB2_2:
0x20: {  	s15 =	sadd.s32 s2, s4;
	[sflag:s12] =	ssyncadd.s32 @!p0 $0xFFFFE800  }
0x21: {  	s2 =	smov.u32 s8;
	s8 =	sadd.s32 $0x10, s8;
	p0 =	sgt.u32 s15, $0x270  }
0x22: {  	p1 =	sne.s32 s8, $0x280;
	s15 =	simm.s32 @!p0 $0x0  }
.Ltmp2:
0x23: {  	s4 =	simm.s32 @!p0 $0xA080;
	s12 =	simm.s32 @!p0 $0x2;
	(pc) =	sbr.rel @p1 .LBB2_2-.Ltmp2, $4  }
0x24: {  	[hbm4b:s1+s15] =	stream.linear.scatter @!p0 [tilespmem:s4], [sflag:$0x2], $0x1800, $0x38;
	[tilespmem:$0xB880] =	vst v63  }
0x25: {  	s4 =	stileid.u32  }
0x26: {  	_ =	swait.ge @!p0 [sflag:s12], $0x1800  }
0x27: {  	s1 =	sadd.s32 $0x3000, s1;
	[sflag:s12] =	ssyncset.done @!p0 $0x0  }
0x28: {  	s2 =	sadd.s32 s2, s4  }
0x29: {  	[sflag:s12] =	ssyncadd.s32 @!p0 $0xFFFFE800;
	p0 =	sgt.u32 s2, $0x270  }
0x2a: {  	s2 =	simm.s32 @!p0 $0x0;
	s4 =	simm.s32 @!p0 $0xA080;
	s8 =	simm.s32 @!p0 $0x2  }
0x2b: {  	[hbm4b:s1+s2] =	stream.linear.scatter @!p0 [tilespmem:s4], [sflag:$0x2], $0x1800, $0x38;
	[tilespmem:$0xB880] =	vst v63  }
.Ltmp3:
0x2c: {  	_ =	swait.ge @!p0 [sflag:s8], $0x1800;
	(pc) =	sbr.rel .LBB2_4-.Ltmp3, $4  }
0x2d: {  	[sflag:s8] =	ssyncset.done @!p0 $0x0  }
0x2e: {  	[sflag:s8] =	ssyncadd.s32 @!p0 $0xFFFFE800  }
0x2f: {  	[bflag:$0x0] =	sbarrier.arrive $0xFFFF  }
0x30: {  	s12 =	simm.s32 $0x0;
	s1 =	simm.s32 $0x0  }
.LBB2_9:
0x31: {  	s1 =	sadd.s32 $0x1, s1  }
0x32: {  	p0 =	sne.s32 s1, $0x5  }
.Ltmp4:
0x33: {  	_ = 	snop;
	(pc) =	sbr.rel @!p0 .LBB2_10-.Ltmp4, $1  }
0x34: {  	_ =	sdelay $0x3  }
.LBB2_4:
0x35: {  	s2 =	smul.u32 $0xFA0, s1  }
0x36: {  	s4 =	rddreg [dreg:$0x5]  }
0x37: {  	s2 =	sadd.s32 s4, s2  }
0x38: {  	s8 =	rddreg [dreg:$0x1];
	s2 =	sshrl.u32 s2, $0x3  }
0x39: {  	s4 =	sadd.s32 s8, s2  }
0x3a: {  	[tilespmem:s12], [sflag:$0x2] =	stream.linear.gather [hbm4b:s4+s12], $0xFA0, $0x38;
	[tilespmem:$0xB880] =	vst v63  }
0x3b: {  	_ =	swait.ge [sflag:s14], $0xFA0  }
0x3c: {  	[sflag:s14] =	ssyncset.done $0x0  }
0x3d: {  	[sflag:s14] =	ssyncadd.s32 $0xFFFFF060  }
0x3e: {  	s15 =	rddreg [dreg:$0x2]  }
0x3f: {  	s8 =	simm.s32 $0x1000;
	s2 =	sadd.s32 s15, s2  }
0x40: {  	[tilespmem:s8], [sflag:$0x2] =	stream.linear.gather [hbm4b:s2+s12], $0xFA0, $0x38;
	[tilespmem:$0xB880] =	vst v63  }
0x41: {  	_ =	swait.ge [sflag:s14], $0xFA0  }
0x42: {  	[sflag:s14] =	ssyncset.done $0x0  }
0x43: {  	s15 =	simm.s32 $0x0;
	[sflag:s14] =	ssyncadd.s32 $0xFFFFF060  }
0x44: {  	v8 =	vld [tilespmem:s15+$0x1000];
	_ =	sdelay $0x4  }
0x45: {  	vm2 =	vge.s32 v8, v0;
	vm3 =	vlt.s32 v8, v2  }
0x46: {  	vm2 =	vmand vm2, vm3  }
0x47: {  	v9 =	vsel vm2, $0x1, v3  }
0x48: {  	(xrf0) =	vadd.scan.msk.s32 $0xffff, v9;
	_ =	sdelay $0x4  }
0x49: {  	v63 =	vsel vm2, $0xFFFFFFFF, v3  }
0x4a: {  	v9 =	vadd.s32 s12, v63;
	v10, _, _ =	vpop (xrf0)  }
0x4b: {  	v9 =	vadd.s32 v10, v9;
	(v2sf) =	vpush v10, $0xF  }
0x4c: {  	v11 =	vld [tilespmem:s15+$0x0];
	_ =	sdelay $0x3  }
0x4d: {  	[tilespmem:v9+s16+$0x0] =	vst.idx.msk vm2, v8  }
0x4e: {  	s2 =	simm.s32 $0x10;
	s8 =	simm.s32 $0x0;
	s15 =	simm.s32 $0x80;
	[tilespmem:v9+s17+$0x0] =	vst.idx.msk vm2, v11  }
.LBB2_5:
0x4f: {  	p0 =	sne.s32 s15, $0x3E40;
	v8 =	vld [tilespmem:s2+$0x1000];
	_ =	sdelay $0x4  }
0x50: {  	vm2 =	vge.s32 v8, v0;
	vm3 =	vlt.s32 v8, v2  }
0x51: {  	vm2 =	vmand vm2, vm3  }
0x52: {  	v9 =	vsel vm2, $0xFFFFFFFF, v3;
	v10 =	vsel vm2, $0x1, v3  }
0x53: {  	(xrf0) =	vadd.scan.msk.s32 $0xffff, v10;
	s4 =	spop (v2sf)  }
0x54: {  	s8 =	sadd.s32 s8, s4  }
0x55: {  	v9 =	vadd.s32 s8, v9;
	_ =	sdelay $0x3  }
0x56: {  	v10, _, _ =	vpop (xrf0)  }
0x57: {  	v9 =	vadd.s32 v10, v9;
	(v2sf) =	vpush v10, $0xF  }
0x58: {  	v10 =	vld [tilespmem:s2+$0x0]  }
.Ltmp5:
0x59: {  	(pc) =	sbr.rel @p0 .LBB2_5-.Ltmp5, $3  }
0x5a: {  	_ =	sdelay $0x1  }
0x5b: {  	[tilespmem:v9+s16+$0x0] =	vst.idx.msk vm2, v8  }
0x5c: {  	s2 =	sshra.s32 s15, $0x2;
	s15 =	sadd.s32 $0x40, s15;
	[tilespmem:v9+s17+$0x0] =	vst.idx.msk vm2, v10  }
0x5d: {  	v8 =	vld [tilespmem:s2+$0x1000];
	_ =	sdelay $0x4  }
0x5e: {  	vm2 =	vge.s32 v8, v0;
	vm3 =	vlt.s32 v8, v2  }
0x5f: {  	vm2 =	vmand vm2, vm3  }
0x60: {  	v9 =	vsel vm2, $0x1, v3  }
0x61: {  	(xrf0) =	vadd.scan.msk.s32 $0xffff, v9;
	_ =	sdelay $0x5  }
0x62: {  	v9, _, _ =	vpop (xrf0)  }
0x63: {  	(v2sf) =	vpush v9, $0xF;
	_ =	sdelay $0xa  }
0x64: {  	s4 =	spop (v2sf)  }
0x65: {  	v10 =	vsel vm2, $0xFFFFFFFF, v3;
	s4 =	sadd.s32 s8, s4  }
0x66: {  	v10 =	vadd.s32 s4, v10  }
0x67: {  	v9 =	vadd.s32 v9, v10  }
0x68: {  	s15 =	spop (v2sf)  }
0x69: {  	s15 =	sadd.s32 s4, s15  }
0x6a: {  	v62 =	vld [tilespmem:s2+$0x0];
	s4 =	sadd.s32 $0x10, s15  }
0x6b: {  	v11 =	vadd.s32 s15, v1;
	s8 =	sadd.s32 $0x20, s15;
	v12 =	vadd.s32 s4, v1;
	s4 =	sadd.s32 $0x3F, s15  }
0x6c: {  	[tilespmem:v9+s16+$0x0] =	vst.idx.msk vm2, v8;
	s2 =	sadd.s32 $0x30, s15;
	v8 =	vadd.s32 s8, v1;
	s8 =	sand.u32 $0x3F, s4  }
0x6d: {  	s15 =	sshra.s32 s4, $0x1F;
	p0 =	slt.s32 s4, $0x1;
	p1 =	sne.s32 s8, $0x0  }
0x6e: {  	v63 =	vadd.s32 s2, v1;
	s2 =	sshrl.u32 s15, $0x1A;
	p0 =	por !p0, !p1  }
0x6f: {  	[tilespmem:v9+s17+$0x0] =	vst.idx.msk vm2, v62;
	s2 =	sadd.s32 s2, s4;
	s4 =	simm.s32 $0x1;
	p0 =	por !p0, !p0  }
0x70: {  	[tilespmem:v11+s16+$0x0] =	vst.idx.msk $0xffff, v4;
	s2 =	sshra.s32 s2, $0x6;
	s4 =	simm.s32 @!p0 $0x0  }
0x71: {  	[tilespmem:v11+s17+$0x0] =	vst.idx.msk $0xffff, v3;
	s2 =	ssub.s32 s2, s4  }
0x72: {  	[tilespmem:v12+s16+$0x0] =	vst.idx.msk $0xffff, v4;
	p0 =	slt.s32 s2, $0x1  }
.Ltmp6:
0x73: {  	[tilespmem:v12+s17+$0x0] =	vst.idx.msk $0xffff, v3;
	(pc) =	sbr.rel @p0 .LBB2_9-.Ltmp6, $4  }
0x74: {  	[tilespmem:v8+s16+$0x0] =	vst.idx.msk $0xffff, v4  }
0x75: {  	[tilespmem:v8+s17+$0x0] =	vst.idx.msk $0xffff, v3  }
0x76: {  	[tilespmem:v63+s16+$0x0] =	vst.idx.msk $0xffff, v4  }
0x77: {  	[tilespmem:v63+s17+$0x0] =	vst.idx.msk $0xffff, v3  }
0x78: {  	s15 =	simm.s32 $0x3020;
	s8 =	simm.s32 $0x2020  }
.LBB2_8:
0x79: {  	v8 =	vld [tilespmem:s8+$0xFFFFFFE0];
	_ =	sdelay $0x4  }
0x7a: {  	[tilespmem:$0x4000] =	vst v8  }
0x7b: {  	v9 =	vld [tilespmem:s8+$0xFFFFFFF0];
	_ =	sdelay $0x4  }
0x7c: {  	[tilespmem:$0x4010] =	vst v9  }
0x7d: {  	v9 =	vld [tilespmem:s8+$0x0]  }
0x7e: {  	v10 =	vshrl.u32 v8, $0x3  }
0x7f: {  	v10 =	vmul.u32 $0x18, v10  }
0x80: {  	v8 =	vand.u32 $0x7, v8  }
0x81: {  	v8 =	vor.u32 v8, v10  }
0x82: {  	v55 =	vperm.xlane v8, v5;
	[tilespmem:$0x4020] =	vst v9  }
0x83: {  	v56 =	vld [tilespmem:s8+$0x10]  }
0x84: {  	v9 =	vadd.s32 v6, v55;
	_ =	sdelay $0x1  }
0x85: {  	v8 =	vperm.xlane v8, v7;
	_ =	sdelay $0x1  }
0x86: {  	v8 =	vadd.s32 v6, v8;
	[tilespmem:$0x4030] =	vst v56  }
0x87: {  	[tilespmem:s19], [sflag:$0x1] =	stream.indirect_vreg.gather [hbm4b:s6+s5], $0x80, v9, vm0, $0xb8;
	[tilespmem:$0xB880] =	vst v63  }
0x88: {  	_ = 	snop  }
0x89: {  	[tilespmem:s20], [sflag:$0x1] =	stream.indirect_vreg.gather [hbm4b:s9+s5], $0x80, v9, vm1, $0xb8;
	[tilespmem:$0xB880] =	vst v63  }
0x8a: {  	_ = 	snop  }
0x8b: {  	[tilespmem:s21], [sflag:$0x1] =	stream.indirect_vreg.gather [hbm4b:s6+s5], $0x80, v8, vm0, $0xb8;
	[tilespmem:$0xB880] =	vst v63  }
0x8c: {  	_ = 	snop  }
0x8d: {  	[tilespmem:s22], [sflag:$0x1] =	stream.indirect_vreg.gather [hbm4b:s9+s5], $0x80, v8, vm1, $0xb8;
	[tilespmem:$0xB880] =	vst v63  }
0x8e: {  	v8 =	vld [tilespmem:$0x4010];
	_ =	sdelay $0x4  }
0x8f: {  	v57 =	vshrl.u32 v8, $0x3  }
0x90: {  	v9 =	vmul.u32 $0x18, v57  }
0x91: {  	v8 =	vand.u32 $0x7, v8  }
0x92: {  	v8 =	vor.u32 v8, v9  }
0x93: {  	v9 =	vperm.xlane v8, v5;
	_ =	sdelay $0x1  }
0x94: {  	v9 =	vadd.s32 v6, v9;
	_ =	sdelay $0x1  }
0x95: {  	v8 =	vperm.xlane v8, v7;
	_ =	sdelay $0x1  }
0x96: {  	v8 =	vadd.s32 v6, v8  }
0x97: {  	[tilespmem:s23], [sflag:$0x1] =	stream.indirect_vreg.gather [hbm4b:s6+s5], $0x80, v9, vm0, $0xb8;
	[tilespmem:$0xB880] =	vst v63  }
0x98: {  	_ = 	snop  }
0x99: {  	[tilespmem:s24], [sflag:$0x1] =	stream.indirect_vreg.gather [hbm4b:s9+s5], $0x80, v9, vm1, $0xb8;
	[tilespmem:$0xB880] =	vst v63  }
0x9a: {  	_ = 	snop  }
0x9b: {  	[tilespmem:s25], [sflag:$0x1] =	stream.indirect_vreg.gather [hbm4b:s6+s5], $0x80, v8, vm0, $0xb8;
	[tilespmem:$0xB880] =	vst v63  }
0x9c: {  	_ = 	snop  }
0x9d: {  	[tilespmem:s26], [sflag:$0x1] =	stream.indirect_vreg.gather [hbm4b:s9+s5], $0x80, v8, vm1, $0xb8;
	[tilespmem:$0xB880] =	vst v63  }
0x9e: {  	v8 =	vld [tilespmem:$0x4020];
	_ =	sdelay $0x4  }
0x9f: {  	v58 =	vshrl.u32 v8, $0x3  }
0xa0: {  	v9 =	vmul.u32 $0x18, v58  }
0xa1: {  	v8 =	vand.u32 $0x7, v8  }
0xa2: {  	v8 =	vor.u32 v8, v9  }
0xa3: {  	v9 =	vperm.xlane v8, v5;
	_ =	sdelay $0x1  }
0xa4: {  	v9 =	vadd.s32 v6, v9;
	_ =	sdelay $0x1  }
0xa5: {  	v8 =	vperm.xlane v8, v7;
	_ =	sdelay $0x1  }
0xa6: {  	v8 =	vadd.s32 v6, v8  }
0xa7: {  	[tilespmem:s28], [sflag:$0x1] =	stream.indirect_vreg.gather [hbm4b:s6+s5], $0x80, v9, vm0, $0xb8;
	[tilespmem:$0xB880] =	vst v63  }
0xa8: {  	_ = 	snop  }
0xa9: {  	[tilespmem:s29], [sflag:$0x1] =	stream.indirect_vreg.gather [hbm4b:s9+s5], $0x80, v9, vm1, $0xb8;
	[tilespmem:$0xB880] =	vst v63  }
0xaa: {  	_ = 	snop  }
0xab: {  	[tilespmem:s30], [sflag:$0x1] =	stream.indirect_vreg.gather [hbm4b:s6+s5], $0x80, v8, vm0, $0xb8;
	[tilespmem:$0xB880] =	vst v63  }
0xac: {  	_ = 	snop  }
0xad: {  	[tilespmem:s31], [sflag:$0x1] =	stream.indirect_vreg.gather [hbm4b:s9+s5], $0x80, v8, vm1, $0xb8;
	[tilespmem:$0xB880] =	vst v63  }
0xae: {  	v8 =	vld [tilespmem:$0x4030];
	_ =	sdelay $0x4  }
0xaf: {  	v59 =	vshrl.u32 v8, $0x3  }
0xb0: {  	v9 =	vmul.u32 $0x18, v59  }
0xb1: {  	v8 =	vand.u32 $0x7, v8  }
0xb2: {  	v8 =	vor.u32 v8, v9  }
0xb3: {  	v9 =	vperm.xlane v8, v5;
	_ =	sdelay $0x1  }
0xb4: {  	v9 =	vadd.s32 v6, v9;
	_ =	sdelay $0x1  }
0xb5: {  	v8 =	vperm.xlane v8, v7;
	_ =	sdelay $0x1  }
0xb6: {  	v8 =	vadd.s32 v6, v8  }
0xb7: {  	[tilespmem:s0], [sflag:$0x1] =	stream.indirect_vreg.gather [hbm4b:s6+s5], $0x80, v9, vm0, $0xb8;
	[tilespmem:$0xB880] =	vst v63  }
0xb8: {  	_ = 	snop  }
0xb9: {  	[tilespmem:s3], [sflag:$0x1] =	stream.indirect_vreg.gather [hbm4b:s9+s5], $0x80, v9, vm1, $0xb8;
	[tilespmem:$0xB880] =	vst v63  }
0xba: {  	_ = 	snop  }
0xbb: {  	[tilespmem:s13], [sflag:$0x1] =	stream.indirect_vreg.gather [hbm4b:s6+s5], $0x80, v8, vm0, $0xb8;
	[tilespmem:$0xB880] =	vst v63  }
0xbc: {  	_ = 	snop  }
0xbd: {  	[tilespmem:s11], [sflag:$0x1] =	stream.indirect_vreg.gather [hbm4b:s9+s5], $0x80, v8, vm1, $0xb8;
	[tilespmem:$0xB880] =	vst v63  }
0xbe: {  	_ =	swait.ge [sflag:s18], $0x6000  }
0xbf: {  	[sflag:s18] =	ssyncset.done $0x0  }
0xc0: {  	[sflag:s18] =	ssyncadd.s32 $0xFFFFA000  }
0xc1: {  	v8 =	vld [tilespmem:s15+$0xFFFFFFE0];
	_ =	sdelay $0x4  }
0xc2: {  	v60 =	vshrl.u32 v8, $0x3  }
0xc3: {  	v9 =	vmul.u32 $0x18, v60  }
0xc4: {  	v8 =	vand.u32 $0x7, v8  }
0xc5: {  	v8 =	vor.u32 v8, v9  }
0xc6: {  	v9 =	vperm.xlane v8, v5;
	_ =	sdelay $0x1  }
0xc7: {  	v9 =	vadd.s32 v6, v9;
	_ =	sdelay $0x1  }
0xc8: {  	v8 =	vperm.xlane v8, v7;
	_ =	sdelay $0x1  }
0xc9: {  	v8 =	vadd.s32 v6, v8  }
0xca: {  	[hbm4b:s7+s5] =	stream.indirect_vreg.scatter [tilespmem:s19], [sflag:$0x2], $0x80, v9, vm0, $0xb8;
	[tilespmem:$0xB880] =	vst v63  }
0xcb: {  	_ = 	snop  }
0xcc: {  	[hbm4b:s10+s5] =	stream.indirect_vreg.scatter [tilespmem:s20], [sflag:$0x2], $0x80, v9, vm1, $0xb8;
	[tilespmem:$0xB880] =	vst v63  }
0xcd: {  	_ = 	snop  }
0xce: {  	[hbm4b:s7+s5] =	stream.indirect_vreg.scatter [tilespmem:s21], [sflag:$0x2], $0x80, v8, vm0, $0xb8;
	[tilespmem:$0xB880] =	vst v63  }
0xcf: {  	_ = 	snop  }
0xd0: {  	[hbm4b:s10+s5] =	stream.indirect_vreg.scatter [tilespmem:s22], [sflag:$0x2], $0x80, v8, vm1, $0xb8;
	[tilespmem:$0xB880] =	vst v63  }
0xd1: {  	_ =	swait.ge [sflag:s14], $0x1800  }
0xd2: {  	[sflag:s14] =	ssyncset.done $0x0  }
0xd3: {  	[sflag:s14] =	ssyncadd.s32 $0xFFFFE800  }
0xd4: {  	v8 =	vld [tilespmem:s15+$0xFFFFFFF0];
	_ =	sdelay $0x4  }
0xd5: {  	v61 =	vshrl.u32 v8, $0x3  }
0xd6: {  	v9 =	vmul.u32 $0x18, v61  }
0xd7: {  	v8 =	vand.u32 $0x7, v8  }
0xd8: {  	v8 =	vor.u32 v8, v9  }
0xd9: {  	v9 =	vperm.xlane v8, v5;
	_ =	sdelay $0x1  }
0xda: {  	v9 =	vadd.s32 v6, v9;
	_ =	sdelay $0x1  }
0xdb: {  	v8 =	vperm.xlane v8, v7;
	_ =	sdelay $0x1  }
0xdc: {  	v8 =	vadd.s32 v6, v8  }
0xdd: {  	[hbm4b:s7+s5] =	stream.indirect_vreg.scatter [tilespmem:s23], [sflag:$0x2], $0x80, v9, vm0, $0xb8;
	[tilespmem:$0xB880] =	vst v63  }
0xde: {  	_ = 	snop  }
0xdf: {  	[hbm4b:s10+s5] =	stream.indirect_vreg.scatter [tilespmem:s24], [sflag:$0x2], $0x80, v9, vm1, $0xb8;
	[tilespmem:$0xB880] =	vst v63  }
0xe0: {  	_ = 	snop  }
0xe1: {  	[hbm4b:s7+s5] =	stream.indirect_vreg.scatter [tilespmem:s25], [sflag:$0x2], $0x80, v8, vm0, $0xb8;
	[tilespmem:$0xB880] =	vst v63  }
0xe2: {  	_ = 	snop  }
0xe3: {  	[hbm4b:s10+s5] =	stream.indirect_vreg.scatter [tilespmem:s26], [sflag:$0x2], $0x80, v8, vm1, $0xb8;
	[tilespmem:$0xB880] =	vst v63  }
0xe4: {  	_ =	swait.ge [sflag:s14], $0x1800  }
0xe5: {  	[sflag:s14] =	ssyncset.done $0x0  }
0xe6: {  	[sflag:s14] =	ssyncadd.s32 $0xFFFFE800  }
0xe7: {  	v8 =	vld [tilespmem:s15+$0x0];
	_ =	sdelay $0x4  }
0xe8: {  	v62 =	vshrl.u32 v8, $0x3  }
0xe9: {  	v9 =	vmul.u32 $0x18, v62  }
0xea: {  	v8 =	vand.u32 $0x7, v8  }
0xeb: {  	v8 =	vor.u32 v8, v9  }
0xec: {  	v9 =	vperm.xlane v8, v5;
	_ =	sdelay $0x1  }
0xed: {  	v9 =	vadd.s32 v6, v9;
	_ =	sdelay $0x1  }
0xee: {  	v8 =	vperm.xlane v8, v7;
	_ =	sdelay $0x1  }
0xef: {  	v8 =	vadd.s32 v6, v8  }
0xf0: {  	[hbm4b:s7+s5] =	stream.indirect_vreg.scatter [tilespmem:s28], [sflag:$0x2], $0x80, v9, vm0, $0xb8;
	[tilespmem:$0xB880] =	vst v63  }
0xf1: {  	_ = 	snop  }
0xf2: {  	[hbm4b:s10+s5] =	stream.indirect_vreg.scatter [tilespmem:s29], [sflag:$0x2], $0x80, v9, vm1, $0xb8;
	[tilespmem:$0xB880] =	vst v63  }
0xf3: {  	_ = 	snop  }
0xf4: {  	[hbm4b:s7+s5] =	stream.indirect_vreg.scatter [tilespmem:s30], [sflag:$0x2], $0x80, v8, vm0, $0xb8;
	[tilespmem:$0xB880] =	vst v63  }
0xf5: {  	_ = 	snop  }
0xf6: {  	[hbm4b:s10+s5] =	stream.indirect_vreg.scatter [tilespmem:s31], [sflag:$0x2], $0x80, v8, vm1, $0xb8;
	[tilespmem:$0xB880] =	vst v63  }
0xf7: {  	_ =	swait.ge [sflag:s14], $0x1800  }
0xf8: {  	[sflag:s14] =	ssyncset.done $0x0  }
0xf9: {  	[sflag:s14] =	ssyncadd.s32 $0xFFFFE800  }
0xfa: {  	v8 =	vld [tilespmem:s15+$0x10];
	_ =	sdelay $0x4  }
0xfb: {  	v63 =	vshrl.u32 v8, $0x3  }
0xfc: {  	v9 =	vmul.u32 $0x18, v63  }
0xfd: {  	v8 =	vand.u32 $0x7, v8  }
0xfe: {  	v8 =	vor.u32 v8, v9  }
0xff: {  	v9 =	vperm.xlane v8, v5;
	_ =	sdelay $0x1  }
0x100: {  	v9 =	vadd.s32 v6, v9;
	_ =	sdelay $0x1  }
0x101: {  	v8 =	vperm.xlane v8, v7;
	_ =	sdelay $0x1  }
0x102: {  	v8 =	vadd.s32 v6, v8  }
0x103: {  	[hbm4b:s7+s5] =	stream.indirect_vreg.scatter [tilespmem:s0], [sflag:$0x2], $0x80, v9, vm0, $0xb8;
	[tilespmem:$0xB880] =	vst v63  }
0x104: {  	_ = 	snop  }
0x105: {  	[hbm4b:s10+s5] =	stream.indirect_vreg.scatter [tilespmem:s3], [sflag:$0x2], $0x80, v9, vm1, $0xb8;
	[tilespmem:$0xB880] =	vst v63  }
0x106: {  	p0 =	sne.s32 s2, $0x1  }
0x107: {  	[hbm4b:s7+s5] =	stream.indirect_vreg.scatter [tilespmem:s13], [sflag:$0x2], $0x80, v8, vm0, $0xb8;
	[tilespmem:$0xB880] =	vst v63  }
.Ltmp7:
0x108: {  	_ = 	snop;
	(pc) =	sbr.rel @p0 .LBB2_8-.Ltmp7, $4  }
0x109: {  	[hbm4b:s10+s5] =	stream.indirect_vreg.scatter [tilespmem:s11], [sflag:$0x2], $0x80, v8, vm1, $0xb8;
	[tilespmem:$0xB880] =	vst v63  }
0x10a: {  	_ =	swait.ge [sflag:s14], $0x1800  }
0x10b: {  	s2 =	sadd.s32 $0xFFFFFFFF, s2;
	[sflag:s14] =	ssyncset.done $0x0  }
0x10c: {  	s8 =	sadd.s32 $0x40, s8;
	s15 =	sadd.s32 $0x40, s15;
	[sflag:s14] =	ssyncadd.s32 $0xFFFFE800  }
.Ltmp8:
0x10d: {  	_ = 	snop;
	(pc) =	sbr.rel .LBB2_9-.Ltmp8, $1  }
0x10e: {  	_ =	sdelay $0x3  }
.LBB2_11:
0x10f: {  	_ =	sfence.sel $0x180000  }
0x110: {  	[bflag:$0x0] =	sbarrier.arrive $0xFFFF  }
0x111: {  	_ =	strace $0x90000047  }
0x112: {  	[bflag:$0x2] =	sbarrier.arrive $0xFFFF  }
0x113: {  	p0 =	sne.s32 s4, $0x0;
	s0 =	rddreg [dreg:$0x4]  }
0x114: {  	s0 =	sadd.s32 @!p0 $0x100000, s0  }
0x115: {  	[sflag:s0] =	ssyncadd.tile.s32 @!p0 $0x1;
	_ =	shalt  }
.Lfunc_end2:
_tile_overlayer_lowered:
.L_overlay_start_2:
0x116: {  	(tag) =	ssettag $0x2  }
0x117: {  	s0 =	rddreg [dreg:$0x0];
	s2 =	stileid.u32  }
0x118: {  	s1 =	rddreg [dreg:$0x1];
	p0 =	sne.s32 s2, $0x0  }
0x119: {  	s3 =	rddreg [dreg:$0x2];
	[bflag:$0x3] =	sbarrier.arrive $0xFFFF;
	s2 =	simm.s32 @!p0 $0x1C02  }
0x11a: {  	[timem:s3], [sflag:s2] =	dma.local @!p0 [hbm:s0], s1  }
0x11b: {  	s0 =	simm.s32 @!p0 $0x2  }
0x11c: {  	_ =	swait.ge @!p0 [sflag:s0], s1  }
0x11d: {  	s1 =	ssub.s32 @!p0 $0x0, s1;
	[sflag:s0] =	ssyncset.done @!p0 $0x0  }
0x11e: {  	[sflag:s0] =	ssyncadd.s32 @!p0 s1  }
0x11f: {  	[bflag:$0x3] =	sbarrier.arrive $0xFFFF  }
0x120: {  	_ =	shalt  }

</sc_bundles>
